<compile_context>
chip_gen: v7x
topology: tpu7x:2x2x1
jax: 0.10.2.dev20260603
libtpu: 0.0.44.dev20260713+nightly
codegen_flags: <defaults>
</compile_context>

<pallas_src>
import jax
import jax.numpy as jnp
from jax import lax
from jax.experimental import pallas as pl
from jax.experimental.pallas import tpu as pltpu
from jax.experimental.pallas import tpu_sc as plsc

_NUM_LABELS = 81
_POS_K = 170
_NEG_K = 341
_TH = 0.5
_RNG_SEED = 42
_NPAD = 5008


def _phase1_body(roi_t_ref, gt_ref, glab_ref, mrg_out_ref, lab_out_ref, dlt_out_ref):
    r = roi_t_ref[0]
    n = r.shape[1]
    by1, bx1, by2, bx2 = r[0:1, :], r[1:2, :], r[2:3, :], r[3:4, :]
    g = gt_ref[0]
    m = g.shape[0]
    gy1, gx1, gy2, gx2 = g[:, 0:1], g[:, 1:2], g[:, 2:3], g[:, 3:4]
    glab = glab_ref[0]

    x_top = jnp.maximum(bx1, gx1)
    y_top = jnp.maximum(by1, gy1)
    x_bot = jnp.minimum(bx2, gx2)
    y_bot = jnp.minimum(by2, gy2)
    inter = jnp.maximum(x_bot - x_top, 0.0) * jnp.maximum(y_bot - y_top, 0.0)
    barea = (by2 - by1) * (bx2 - bx1)
    garea = (gy2 - gy1) * (gx2 - gx1)
    union = barea + garea - inter
    iou = inter / jnp.maximum(union, 1e-7)

    merged = jnp.max(iou, axis=0, keepdims=True)
    iota_g = lax.broadcasted_iota(jnp.int32, (m, n), 0)
    amax = jnp.min(jnp.where(iou == merged, iota_g, m), axis=0, keepdims=True)
    onehot = iota_g == amax

    egy1 = jnp.sum(jnp.where(onehot, gy1, 0.0), axis=0, keepdims=True)
    egx1 = jnp.sum(jnp.where(onehot, gx1, 0.0), axis=0, keepdims=True)
    egy2 = jnp.sum(jnp.where(onehot, gy2, 0.0), axis=0, keepdims=True)
    egx2 = jnp.sum(jnp.where(onehot, gx2, 0.0), axis=0, keepdims=True)
    elab = jnp.sum(jnp.where(onehot, glab, 0), axis=0, keepdims=True)

    mrg_out_ref[0] = merged
    lab_out_ref[0] = elab

    bw = bx2 - bx1
    bh = by2 - by1
    bcx = bx1 + 0.5 * bw
    bcy = by1 + 0.5 * bh
    gw = egx2 - egx1
    gh = egy2 - egy1
    gcx = egx1 + 0.5 * gw
    gcy = egy1 + 0.5 * gh
    bw = jnp.where(bw == 0.0, 0.001, bw)
    bh = jnp.where(bh == 0.0, 0.001, bh)
    dx = jnp.where(gw == 0.0, 0.0, (gcx - bcx) / bw) * 10.0
    dy = jnp.where(gh == 0.0, 0.0, (gcy - bcy) / bh) * 10.0
    dw = jnp.where(gw == 0.0, 0.0, jnp.log(jnp.where(gw == 0.0, 1.0, gw / bw))) * 5.0
    dh = jnp.where(gh == 0.0, 0.0, jnp.log(jnp.where(gh == 0.0, 1.0, gh / bh))) * 5.0
    dlt_out_ref[0] = jnp.concatenate([dy, dx, dh, dw], axis=0)


_GATHER_DNUMS = lax.GatherDimensionNumbers(
    offset_dims=(), collapsed_slice_dims=(0,), start_index_map=(0,))


def _perm(x, idx):
    return lax.gather(x, idx[:, None], _GATHER_DNUMS, (1,),
                      mode=lax.GatherScatterMode.PROMISE_IN_BOUNDS,
                      unique_indices=True, indices_are_sorted=False)


def _sc_select_body(mrg_hbm, rnd_hbm, sel_hbm, mrg_v, rnd_v, mult_v, sel_v):
    wid = lax.axis_index("s") * 2 + lax.axis_index("c")
    nv = _NPAD // 16
    iota16 = lax.iota(jnp.int32, 16)

    def splat_sum(x):
        for sft in (1, 2, 4, 8):
            x = x + _perm(x, iota16 ^ sft)
        return x

    def prefix_incl(x):
        for sft in (1, 2, 4, 8):
            shifted = _perm(x, jnp.maximum(iota16 - sft, 0))
            x = x + jnp.where(iota16 >= sft, shifted, 0)
        return x

    @pl.when(wid < 16)
    def _():
        b = wid >> 1
        kind = wid % 2
        pltpu.sync_copy(mrg_hbm.at[b], mrg_v)
        pltpu.sync_copy(rnd_hbm.at[kind, b], rnd_v)
        k = _POS_K * (1 - kind) + _NEG_K * kind
        kpi = 1 - kind

        def precompute(i, c):
            mrg = mrg_v[pl.ds(i * 16, 16)]
            rnd = rnd_v[pl.ds(i * 16, 16)]
            mp = jnp.where(mrg > _TH, 1, 0)
            mn = jnp.where(mrg < _TH, 1, 0) * jnp.where(mrg >= 0.0, 1, 0)
            msk_i = kpi * mp + (1 - kpi) * mn
            mult_v[pl.ds(i * 16, 16)] = rnd * msk_i
            return c

        lax.fori_loop(0, nv, precompute, jnp.int32(0))

        def count_ge(t):
            def body(i, acc):
                mult = mult_v[pl.ds(i * 16, 16)]
                return acc + jnp.where(mult >= t, 1, 0)
            acc = lax.fori_loop(0, nv, body, jnp.zeros((16,), jnp.int32))
            return splat_sum(acc)

        def bs_body(_, lohi):
            lo, hi = lohi
            mid = (lo + hi) >> 1
            take = count_ge(mid) >= k
            return jnp.where(take, mid, lo), jnp.where(take, hi, mid)

        lo0 = jnp.zeros((16,), jnp.int32)
        hi0 = jnp.zeros((16,), jnp.int32) + 4096
        t, _ = lax.fori_loop(0, 12, bs_body, (lo0, hi0))
        r = k - count_ge(t + 1)

        def tie_body(i, carry):
            mult = mult_v[pl.ds(i * 16, 16)]
            nz_i = jnp.where(mult > 0, 1, 0)
            eq_i = jnp.where(mult == t, 1, 0)
            pref = prefix_incl(eq_i)
            tie_i = eq_i * jnp.where((carry + pref) <= r, 1, 0)
            gt_i = jnp.where(mult > t, 1, 0)
            sel_v[pl.ds(i * 16, 16)] = nz_i * (gt_i + tie_i)
            return carry + splat_sum(eq_i)

        lax.fori_loop(0, nv, tie_body, jnp.zeros((16,), jnp.int32))
        pltpu.sync_copy(sel_v, sel_hbm.at[kind, b])


def _phase2_body(lab_ref, dlt_ref, selp_ref, seln_ref, oh_ref, big_ref):
    lab_g = lab_ref[0]
    dlt = dlt_ref[0]
    sp = selp_ref[0] != 0
    sn = seln_ref[0] != 0
    t = lab_g.shape[0]
    lab = jnp.where(sp, lab_g, -1) + sn.astype(jnp.int32)
    iota_c = lax.broadcasted_iota(jnp.int32, (t, _NUM_LABELS), 1)
    hit = iota_c == lab
    oh_ref[0] = hit.astype(jnp.int32)
    hitp = (hit & sp)[:, None, :]
    dsel = dlt[:, :, None]
    big_ref[0] = jnp.where(hitp, dsel, 0.0)


def kernel(roi_bboxes, gt_boxes, gt_labels):
    b, n = roi_bboxes.shape[0], roi_bboxes.shape[1]
    m = gt_boxes.shape[1]

    key42 = jax.random.key(_RNG_SEED)
    rand_p = jax.random.randint(key42, (b, n), 1, _POS_K * 10, dtype=jnp.int32)
    rand_n = jax.random.randint(key42, (b, n), 1, _NEG_K * 10, dtype=jnp.int32)
    rnd = jnp.stack([rand_p, rand_n])
    rnd = jnp.pad(rnd, ((0, 0), (0, 0), (0, _NPAD - n)))

    roi_t = jnp.transpose(roi_bboxes, (0, 2, 1))
    glab3 = gt_labels.reshape(b, m, 1)

    mrg_row, lab_row, dlt_row = pl.pallas_call(
        _phase1_body,
        grid=(b,),
        in_specs=[
            pl.BlockSpec((1, 4, n), lambda i: (i, 0, 0)),
            pl.BlockSpec((1, m, 4), lambda i: (i, 0, 0)),
            pl.BlockSpec((1, m, 1), lambda i: (i, 0, 0)),
        ],
        out_specs=[
            pl.BlockSpec((1, 1, n), lambda i: (i, 0, 0)),
            pl.BlockSpec((1, 1, n), lambda i: (i, 0, 0)),
            pl.BlockSpec((1, 4, n), lambda i: (i, 0, 0)),
        ],
        out_shape=[
            jax.ShapeDtypeStruct((b, 1, n), jnp.float32),
            jax.ShapeDtypeStruct((b, 1, n), jnp.int32),
            jax.ShapeDtypeStruct((b, 4, n), jnp.float32),
        ],
    )(roi_t, gt_boxes, glab3)

    mrg_pad = jnp.pad(mrg_row.reshape(b, n), ((0, 0), (0, _NPAD - n)),
                      constant_values=-1.0)

    mesh = plsc.VectorSubcoreMesh(core_axis_name="c", subcore_axis_name="s")
    sel = pl.kernel(
        _sc_select_body,
        mesh=mesh,
        out_type=jax.ShapeDtypeStruct((2, b, _NPAD), jnp.int32),
        scratch_types=[
            pltpu.VMEM((_NPAD,), jnp.float32),
            pltpu.VMEM((_NPAD,), jnp.int32),
            pltpu.VMEM((_NPAD,), jnp.int32),
            pltpu.VMEM((_NPAD,), jnp.int32),
        ],
    )(mrg_pad, rnd)

    selp = sel[0, :, :n].reshape(b, n, 1)
    seln = sel[1, :, :n].reshape(b, n, 1)
    lab_col = jnp.transpose(lab_row, (0, 2, 1))
    dlt_col = jnp.transpose(dlt_row, (0, 2, 1))

    tile = 1000
    oh, big_t = pl.pallas_call(
        _phase2_body,
        grid=(b, n // tile),
        in_specs=[
            pl.BlockSpec((1, tile, 1), lambda i, j: (i, j, 0)),
            pl.BlockSpec((1, tile, 4), lambda i, j: (i, j, 0)),
            pl.BlockSpec((1, tile, 1), lambda i, j: (i, j, 0)),
            pl.BlockSpec((1, tile, 1), lambda i, j: (i, j, 0)),
        ],
        out_specs=[
            pl.BlockSpec((1, tile, _NUM_LABELS), lambda i, j: (i, j, 0)),
            pl.BlockSpec((1, tile, 4, _NUM_LABELS), lambda i, j: (i, j, 0, 0)),
        ],
        out_shape=[
            jax.ShapeDtypeStruct((b, n, _NUM_LABELS), jnp.int32),
            jax.ShapeDtypeStruct((b, n, 4, _NUM_LABELS), jnp.float32),
        ],
    )(lab_col, dlt_col, selp, seln)

    big = jnp.swapaxes(big_t, -1, -2)
    return big.reshape(b, n * _NUM_LABELS, 4), oh

# --- scband reference (transcript-rebuilt; emitter-appended) ---
"""Pipeline reference for scband-ro-idelta-41755672052248 (READ-ONLY COPY).

The authoritative reference and input builder live on the scoring server;
editing this copy changes nothing except your own understanding.
"""

import jax, jax.numpy as jnp
import numpy as np

TOTAL_LABELS = 81
TOTAL_POS_BBOXES = 170  # int(512/3)
TOTAL_NEG_BBOXES = 341  # int(512*2/3)
VARIANCES = np.array([0.1, 0.1, 0.2, 0.2], dtype=np.float32)
POSITIVE_TH = 0.5
SEED = 42


def generate_iou_map(bboxes, gt_boxes):
    bbox_y1, bbox_x1, bbox_y2, bbox_x2 = jnp.split(bboxes, 4, axis=-1)
    gt_y1, gt_x1, gt_y2, gt_x2 = jnp.split(gt_boxes, 4, axis=-1)
    gt_area = ((gt_y2 - gt_y1) * (gt_x2 - gt_x1))[..., 0]
    bbox_area = ((bbox_y2 - bbox_y1) * (bbox_x2 - bbox_x1))[..., 0]
    x_top = jnp.maximum(bbox_x1, jnp.transpose(gt_x1, (0, 2, 1)))
    y_top = jnp.maximum(bbox_y1, jnp.transpose(gt_y1, (0, 2, 1)))
    x_bottom = jnp.minimum(bbox_x2, jnp.transpose(gt_x2, (0, 2, 1)))
    y_bottom = jnp.minimum(bbox_y2, jnp.transpose(gt_y2, (0, 2, 1)))
    inter = jnp.maximum(x_bottom - x_top, 0.0) * jnp.maximum(y_bottom - y_top, 0.0)
    union = bbox_area[..., None] + gt_area[:, None, :] - inter
    return inter / jnp.maximum(union, 1e-07)


def get_deltas_from_bboxes(bboxes, gt_boxes):
    bbox_width = bboxes[..., 3] - bboxes[..., 1]
    bbox_height = bboxes[..., 2] - bboxes[..., 0]
    bbox_ctr_x = bboxes[..., 1] + 0.5 * bbox_width
    bbox_ctr_y = bboxes[..., 0] + 0.5 * bbox_height
    gt_width = gt_boxes[..., 3] - gt_boxes[..., 1]
    gt_height = gt_boxes[..., 2] - gt_boxes[..., 0]
    gt_ctr_x = gt_boxes[..., 1] + 0.5 * gt_width
    gt_ctr_y = gt_boxes[..., 0] + 0.5 * gt_height
    bbox_width = jnp.where(bbox_width == 0, 0.001, bbox_width)
    bbox_height = jnp.where(bbox_height == 0, 0.001, bbox_height)
    delta_x = jnp.where(gt_width == 0, 0.0, (gt_ctr_x - bbox_ctr_x) / bbox_width)
    delta_y = jnp.where(gt_height == 0, 0.0, (gt_ctr_y - bbox_ctr_y) / bbox_height)
    safe_w = jnp.where(gt_width == 0, 1.0, gt_width / bbox_width)
    safe_h = jnp.where(gt_height == 0, 1.0, gt_height / bbox_height)
    delta_w = jnp.where(gt_width == 0, 0.0, jnp.log(safe_w))
    delta_h = jnp.where(gt_height == 0, 0.0, jnp.log(safe_h))
    return jnp.stack([delta_y, delta_x, delta_h, delta_w], axis=-1)


def randomly_select_xyz_mask(mask, select_xyz, seed):
    sel = np.asarray(select_xyz)
    maxval = int(sel.max()) * 10
    key = jax.random.key(int(seed))
    random_mask = jax.random.randint(key, mask.shape, 1, maxval, dtype=jnp.int32)
    multiplied = mask.astype(jnp.int32) * random_mask
    sorted_idx = jnp.argsort(-multiplied, axis=-1)
    sorted_pos = jnp.argsort(sorted_idx, axis=-1)
    selected = sorted_pos < jnp.asarray(sel, dtype=jnp.int32)[:, None]
    return mask & selected


def _make_boxes(key, b, n):
    k1, k2 = jax.random.split(key)
    corner = jax.random.uniform(k1, (b, n, 2), dtype=jnp.float32) * 0.6
    size = jax.random.uniform(k2, (b, n, 2), dtype=jnp.float32) * 0.35 + 0.02
    return jnp.concatenate([corner, corner + size], axis=-1)


def setup_inputs(seed: int = 0) -> dict:
    key = jax.random.key(seed)
    k1, k2, k3 = jax.random.split(key, 3)
    roi_bboxes = _make_boxes(k1, 8, 5000)
    gt_boxes = _make_boxes(k2, 8, 100)
    valid = (jnp.arange(100) < 90).astype(jnp.float32)
    gt_boxes = gt_boxes * valid[None, :, None]  # zero-padded gt boxes, exercises gt_width==0 path
    gt_labels = jax.random.randint(k3, (8, 100), 0, 81, dtype=jnp.int32)
    return {"roi_bboxes": roi_bboxes, "gt_boxes": gt_boxes, "gt_labels": gt_labels}


def reference(roi_bboxes, gt_boxes, gt_labels):
    b, n = roi_bboxes.shape[0], roi_bboxes.shape[1]
    iou_map = generate_iou_map(roi_bboxes, gt_boxes)
    max_indices_each_gt_box = jnp.argmax(iou_map, axis=2)
    merged_iou_map = jnp.max(iou_map, axis=2)
    pos_mask = merged_iou_map > POSITIVE_TH
    pos_mask = randomly_select_xyz_mask(pos_mask, np.array([TOTAL_POS_BBOXES]), SEED)
    neg_mask = (merged_iou_map < POSITIVE_TH) & (merged_iou_map >= 0.0)
    neg_mask = randomly_select_xyz_mask(neg_mask, np.array([TOTAL_NEG_BBOXES]), SEED)
    idx4 = jnp.broadcast_to(max_indices_each_gt_box[..., None], (b, n, 4))
    gt_boxes_map = jnp.take_along_axis(gt_boxes, idx4, axis=1)
    expanded_gt_boxes = jnp.where(pos_mask[..., None], gt_boxes_map, jnp.zeros_like(gt_boxes_map))
    gt_labels_map = jnp.take_along_axis(gt_labels, max_indices_each_gt_box, axis=1)
    pos_gt_labels = jnp.where(pos_mask, gt_labels_map, -1)
    expanded_gt_labels = pos_gt_labels + neg_mask.astype(pos_gt_labels.dtype)
    roi_bbox_deltas = get_deltas_from_bboxes(roi_bboxes, expanded_gt_boxes) / jnp.asarray(VARIANCES)
    roi_bbox_labels = jax.nn.one_hot(expanded_gt_labels, TOTAL_LABELS, dtype=jnp.int32)
    scatter_indices = jnp.repeat(roi_bbox_labels[..., None], 4, axis=-1)
    roi_bbox_deltas = scatter_indices.astype(jnp.float32) * roi_bbox_deltas[:, :, None, :]
    roi_bbox_deltas = roi_bbox_deltas.reshape(b, n * TOTAL_LABELS, 4)
    return roi_bbox_deltas, roi_bbox_labels

if __name__ == "__main__":
    import jax
    _d = setup_inputs()
    print(jax.jit(kernel)(*tuple(_d.values())))

</pallas_src>

<mosaic_0001>
#map = affine_map<(d0, d1) -> (0, 0)>
#map1 = affine_map<(d0, d1) -> (0, 0, 0)>
module attributes {stable_mosaic.version = 14 : i64} {
  func.func @_sc_select_body(%arg0: i32, %arg1: i32, %arg2: memref<8x5008xf32, #tpu.memory_space<hbm>>, %arg3: memref<2x8x5008xi32, #tpu.memory_space<hbm>>, %arg4: memref<2x8x5008xi32, #tpu.memory_space<hbm>>, %arg5: memref<5008xf32, #tpu.memory_space<vmem>>, %arg6: memref<5008xi32, #tpu.memory_space<vmem>>, %arg7: memref<5008xi32, #tpu.memory_space<vmem>>, %arg8: memref<5008xi32, #tpu.memory_space<vmem>>) attributes {dimension_semantics = [#tpu.dimension_semantics<core_parallel>, #tpu.dimension_semantics<subcore_parallel>], iteration_bounds = array<i64: 2, 16>, scalar_prefetch = 0 : i64, scratch_operands = 4 : i64, tpu.core_type = #tpu.core_type<sc_vector_subcore>, window_params = [{transform_indices = #map}, {transform_indices = #map1}, {transform_indices = #map1}]} {
    %mul3A = arith.constant 2 : i32
    %mul3A_0 = arith.muli %arg1, %mul3A : i32
    %add3A = arith.addi %mul3A_0, %arg0 : i32
    %iota3A = tpu.iota {dimensions = array<i32: 0>} : vector<16xi32>
    %lt3A = arith.constant 16 : i32
    %lt3A_1 = arith.cmpi slt, %add3A, %lt3A : i32
    %convert_element_type3A = arith.extui %lt3A_1 : i1 to i32
    %cond3A = arith.constant 0 : i32
    %cond3A_2 = arith.cmpi ne, %convert_element_type3A, %cond3A : i32
    scf.if %cond3A_2 {
      %shift_right_arithmetic3A = arith.constant 1 : i32
      %shift_right_arithmetic3A_3 = arith.shrsi %add3A, %shift_right_arithmetic3A : i32
      %jit3A = arith.constant 2 : i32
      %eq3A = arith.constant 0 : i32
      %eq3A_4 = arith.cmpi eq, %jit3A, %eq3A : i32
      %jit3A_5 = arith.constant 1 : i32
      %select_n3A = arith.select %eq3A_4, %jit3A_5, %jit3A : i32
      %rem3A = arith.remsi %add3A, %select_n3A : i32
      %ne3A = arith.constant 0 : i32
      %ne3A_6 = arith.cmpi ne, %rem3A, %ne3A : i32
      %lt3A_7 = arith.constant 0 : i32
      %lt3A_8 = arith.cmpi slt, %rem3A, %lt3A_7 : i32
      %lt3A_9 = arith.constant 0 : i32
      %lt3A_10 = arith.cmpi slt, %select_n3A, %lt3A_9 : i32
      %ne3A_11 = arith.xori %lt3A_8, %lt3A_10 : i1
      %and3A = arith.andi %ne3A_11, %ne3A_6 : i1
      %add3A_12 = arith.addi %rem3A, %select_n3A : i32
      %select_n3A_13 = arith.select %and3A, %add3A_12, %rem3A : i32
      "tpu.region"() ({
        %run_scoped3A = tpu.sem_alloc : memref<!tpu.dma_semaphore, #tpu.memory_space<semaphore_mem>>
        %dma_start3A = arith.constant 0 : i32
        %dma_start3A_86 = tpu.memref_slice %arg2[%shift_right_arithmetic3A_3, %dma_start3A] : memref<8x5008xf32, #tpu.memory_space<hbm>> -> memref<1x5008xf32, #tpu.memory_space<hbm>>
        %dma_start3A_87 = tpu.memref_squeeze %dma_start3A_86 : memref<1x5008xf32, #tpu.memory_space<hbm>> -> memref<5008xf32, #tpu.memory_space<hbm>>
        %dma_start3A_88 = arith.constant 0 : i32
        %dma_start3A_89 = tpu.memref_slice %arg2[%shift_right_arithmetic3A_3, %dma_start3A_88] : memref<8x5008xf32, #tpu.memory_space<hbm>> -> memref<1x5008xf32, #tpu.memory_space<hbm>>
        %dma_start3A_90 = tpu.memref_squeeze %dma_start3A_89 : memref<1x5008xf32, #tpu.memory_space<hbm>> -> memref<5008xf32, #tpu.memory_space<hbm>>
        tpu.enqueue_dma source(%dma_start3A_90 : memref<5008xf32, #tpu.memory_space<hbm>>) target(%arg5 : memref<5008xf32, #tpu.memory_space<vmem>>) target_semaphore(%run_scoped3A : memref<!tpu.dma_semaphore, #tpu.memory_space<semaphore_mem>>)
        %dma_wait3A = arith.constant 0 : i32
        %dma_wait3A_91 = tpu.memref_slice %arg2[%shift_right_arithmetic3A_3, %dma_wait3A] : memref<8x5008xf32, #tpu.memory_space<hbm>> -> memref<1x5008xf32, #tpu.memory_space<hbm>>
        %dma_wait3A_92 = tpu.memref_squeeze %dma_wait3A_91 : memref<1x5008xf32, #tpu.memory_space<hbm>> -> memref<5008xf32, #tpu.memory_space<hbm>>
        %dma_wait3A_93 = arith.constant 0 : i32
        %dma_wait3A_94 = tpu.memref_slice %arg2[%shift_right_arithmetic3A_3, %dma_wait3A_93] : memref<8x5008xf32, #tpu.memory_space<hbm>> -> memref<1x5008xf32, #tpu.memory_space<hbm>>
        %dma_wait3A_95 = tpu.memref_squeeze %dma_wait3A_94 : memref<1x5008xf32, #tpu.memory_space<hbm>> -> memref<5008xf32, #tpu.memory_space<hbm>>
        tpu.wait_dma2 semaphore(%run_scoped3A : memref<!tpu.dma_semaphore, #tpu.memory_space<semaphore_mem>>) src(%dma_wait3A_95 : memref<5008xf32, #tpu.memory_space<hbm>>) dst(%arg5 : memref<5008xf32, #tpu.memory_space<vmem>>)
        tpu.yield
      }) : () -> ()
      "tpu.region"() ({
        %run_scoped3A = tpu.sem_alloc : memref<!tpu.dma_semaphore, #tpu.memory_space<semaphore_mem>>
        %dma_start3A = arith.constant 0 : i32
        %dma_start3A_86 = tpu.memref_slice %arg3[%select_n3A_13, %shift_right_arithmetic3A_3, %dma_start3A] : memref<2x8x5008xi32, #tpu.memory_space<hbm>> -> memref<1x1x5008xi32, #tpu.memory_space<hbm>>
        %dma_start3A_87 = tpu.memref_squeeze %dma_start3A_86 : memref<1x1x5008xi32, #tpu.memory_space<hbm>> -> memref<5008xi32, #tpu.memory_space<hbm>>
        %dma_start3A_88 = arith.constant 0 : i32
        %dma_start3A_89 = tpu.memref_slice %arg3[%select_n3A_13, %shift_right_arithmetic3A_3, %dma_start3A_88] : memref<2x8x5008xi32, #tpu.memory_space<hbm>> -> memref<1x1x5008xi32, #tpu.memory_space<hbm>>
        %dma_start3A_90 = tpu.memref_squeeze %dma_start3A_89 : memref<1x1x5008xi32, #tpu.memory_space<hbm>> -> memref<5008xi32, #tpu.memory_space<hbm>>
        tpu.enqueue_dma source(%dma_start3A_90 : memref<5008xi32, #tpu.memory_space<hbm>>) target(%arg6 : memref<5008xi32, #tpu.memory_space<vmem>>) target_semaphore(%run_scoped3A : memref<!tpu.dma_semaphore, #tpu.memory_space<semaphore_mem>>)
        %dma_wait3A = arith.constant 0 : i32
        %dma_wait3A_91 = tpu.memref_slice %arg3[%select_n3A_13, %shift_right_arithmetic3A_3, %dma_wait3A] : memref<2x8x5008xi32, #tpu.memory_space<hbm>> -> memref<1x1x5008xi32, #tpu.memory_space<hbm>>
        %dma_wait3A_92 = tpu.memref_squeeze %dma_wait3A_91 : memref<1x1x5008xi32, #tpu.memory_space<hbm>> -> memref<5008xi32, #tpu.memory_space<hbm>>
        %dma_wait3A_93 = arith.constant 0 : i32
        %dma_wait3A_94 = tpu.memref_slice %arg3[%select_n3A_13, %shift_right_arithmetic3A_3, %dma_wait3A_93] : memref<2x8x5008xi32, #tpu.memory_space<hbm>> -> memref<1x1x5008xi32, #tpu.memory_space<hbm>>
        %dma_wait3A_95 = tpu.memref_squeeze %dma_wait3A_94 : memref<1x1x5008xi32, #tpu.memory_space<hbm>> -> memref<5008xi32, #tpu.memory_space<hbm>>
        tpu.wait_dma2 semaphore(%run_scoped3A : memref<!tpu.dma_semaphore, #tpu.memory_space<semaphore_mem>>) src(%dma_wait3A_95 : memref<5008xi32, #tpu.memory_space<hbm>>) dst(%arg6 : memref<5008xi32, #tpu.memory_space<vmem>>)
        tpu.yield
      }) : () -> ()
      %sub3A = arith.constant 1 : i32
      %sub3A_14 = arith.subi %sub3A, %select_n3A_13 : i32
      %mul3A_15 = arith.constant 170 : i32
      %mul3A_16 = arith.muli %mul3A_15, %sub3A_14 : i32
      %mul3A_17 = arith.constant 341 : i32
      %mul3A_18 = arith.muli %mul3A_17, %select_n3A_13 : i32
      %add3A_19 = arith.addi %mul3A_16, %mul3A_18 : i32
      %sub3A_20 = arith.constant 1 : i32
      %sub3A_21 = arith.subi %sub3A_20, %select_n3A_13 : i32
      %scan3A = arith.constant 0 : i32
      %scan3A_22 = arith.constant 0 : i32
      %scan3A_23 = arith.constant 313 : i32
      %scan3A_24 = arith.addi %scan3A_22, %scan3A_23 : i32
      %scan3A_25 = arith.constant 1 : i32
      scf.for %scan3A_86 = %scan3A_22 to %scan3A_24 step %scan3A_25  : i32 {
        %mul3A_87 = arith.constant 16 : i32
        %mul3A_88 = arith.muli %scan3A_86, %mul3A_87 : i32
        %get3A = arith.index_cast %mul3A_88 : i32 to index
        %get3A_89 = tpu.vector_load %arg5[%get3A] {strides = array<i32>} : memref<5008xf32, #tpu.memory_space<vmem>>, vector<16xf32>,
        %get3A_90 = vector.shape_cast %get3A_89 : vector<16xf32> to vector<16xf32>
        %mul3A_91 = arith.constant 16 : i32
        %mul3A_92 = arith.muli %scan3A_86, %mul3A_91 : i32
        %get3A_93 = arith.index_cast %mul3A_92 : i32 to index
        %get3A_94 = tpu.vector_load %arg6[%get3A_93] {strides = array<i32>} : memref<5008xi32, #tpu.memory_space<vmem>>, vector<16xi32>,
        %get3A_95 = vector.shape_cast %get3A_94 : vector<16xi32> to vector<16xi32>
        %gt3A = arith.constant 5.000000e-01 : f32
        %gt3A_96 = vector.broadcast %gt3A : f32 to vector<16xf32>
        %gt3A_97 = arith.cmpf ogt, %get3A_90, %gt3A_96 : vector<16xf32>
        %jit3A_98 = arith.constant 1 : i32
        %jit3A_99 = arith.constant 0 : i32
        %broadcast_in_dim3A_100 = vector.broadcast %jit3A_98 : i32 to vector<16xi32>
        %broadcast_in_dim3A_101 = vector.broadcast %jit3A_99 : i32 to vector<16xi32>
        %select_n3A_102 = arith.select %gt3A_97, %broadcast_in_dim3A_100, %broadcast_in_dim3A_101 : vector<16xi1>, vector<16xi32>
        %lt3A_103 = arith.constant 5.000000e-01 : f32
        %lt3A_104 = vector.broadcast %lt3A_103 : f32 to vector<16xf32>
        %lt3A_105 = arith.cmpf olt, %get3A_90, %lt3A_104 : vector<16xf32>
        %jit3A_106 = arith.constant 1 : i32
        %jit3A_107 = arith.constant 0 : i32
        %broadcast_in_dim3A_108 = vector.broadcast %jit3A_106 : i32 to vector<16xi32>
        %broadcast_in_dim3A_109 = vector.broadcast %jit3A_107 : i32 to vector<16xi32>
        %select_n3A_110 = arith.select %lt3A_105, %broadcast_in_dim3A_108, %broadcast_in_dim3A_109 : vector<16xi1>, vector<16xi32>
        %ge3A = arith.constant 0.000000e+00 : f32
        %ge3A_111 = vector.broadcast %ge3A : f32 to vector<16xf32>
        %ge3A_112 = arith.cmpf oge, %get3A_90, %ge3A_111 : vector<16xf32>
        %jit3A_113 = arith.constant 1 : i32
        %jit3A_114 = arith.constant 0 : i32
        %broadcast_in_dim3A_115 = vector.broadcast %jit3A_113 : i32 to vector<16xi32>
        %broadcast_in_dim3A_116 = vector.broadcast %jit3A_114 : i32 to vector<16xi32>
        %select_n3A_117 = arith.select %ge3A_112, %broadcast_in_dim3A_115, %broadcast_in_dim3A_116 : vector<16xi1>, vector<16xi32>
        %mul3A_118 = arith.muli %select_n3A_110, %select_n3A_117 : vector<16xi32>
        %mul3A_119 = vector.broadcast %sub3A_21 : i32 to vector<16xi32>
        %mul3A_120 = arith.muli %mul3A_119, %select_n3A_102 : vector<16xi32>
        %sub3A_121 = arith.constant 1 : i32
        %sub3A_122 = arith.subi %sub3A_121, %sub3A_21 : i32
        %mul3A_123 = vector.broadcast %sub3A_122 : i32 to vector<16xi32>
        %mul3A_124 = arith.muli %mul3A_123, %mul3A_118 : vector<16xi32>
        %add3A_125 = arith.addi %mul3A_120, %mul3A_124 : vector<16xi32>
        %mul3A_126 = arith.muli %get3A_95, %add3A_125 : vector<16xi32>
        %mul3A_127 = arith.constant 16 : i32
        %mul3A_128 = arith.muli %scan3A_86, %mul3A_127 : i32
        %swap3A = arith.index_cast %mul3A_128 : i32 to index
        %swap3A_129 = tpu.vector_load %arg7[%swap3A] {strides = array<i32>} : memref<5008xi32, #tpu.memory_space<vmem>>, vector<16xi32>,
        %swap3A_130 = vector.shape_cast %swap3A_129 : vector<16xi32> to vector<16xi32>
        %swap3A_131 = vector.shape_cast %mul3A_126 : vector<16xi32> to vector<16xi32>
        tpu.vector_store %arg7[%swap3A], %swap3A_131 {strides = array<i32>} : memref<5008xi32, #tpu.memory_space<vmem>>, vector<16xi32>,
      }
      %scan3A_26 = arith.constant 313 : i32
      %broadcast_in_dim3A = arith.constant 0 : i32
      %broadcast_in_dim3A_27 = vector.broadcast %broadcast_in_dim3A : i32 to vector<16xi32>
      %broadcast_in_dim3A_28 = arith.constant 0 : i32
      %broadcast_in_dim3A_29 = vector.broadcast %broadcast_in_dim3A_28 : i32 to vector<16xi32>
      %add3A_30 = arith.constant 4096 : i32
      %add3A_31 = vector.broadcast %add3A_30 : i32 to vector<16xi32>
      %add3A_32 = arith.addi %broadcast_in_dim3A_29, %add3A_31 : vector<16xi32>
      %scan3A_33 = arith.constant 0 : i32
      %scan3A_34 = arith.constant 12 : i32
      %scan3A_35 = arith.addi %scan3A_33, %scan3A_34 : i32
      %scan3A_36 = arith.constant 1 : i32
      %scan3A_37:2 = scf.for %scan3A_86 = %scan3A_33 to %scan3A_35 step %scan3A_36 iter_args(%scan3A_87 = %broadcast_in_dim3A_27, %scan3A_88 = %add3A_32) -> (vector<16xi32>, vector<16xi32>)  : i32 {
        %add3A_89 = arith.addi %scan3A_87, %scan3A_88 : vector<16xi32>
        %shift_right_arithmetic3A_90 = arith.constant 1 : i32
        %shift_right_arithmetic3A_91 = vector.broadcast %shift_right_arithmetic3A_90 : i32 to vector<16xi32>
        %shift_right_arithmetic3A_92 = arith.shrsi %add3A_89, %shift_right_arithmetic3A_91 : vector<16xi32>
        %broadcast_in_dim3A_93 = arith.constant 0 : i32
        %broadcast_in_dim3A_94 = vector.broadcast %broadcast_in_dim3A_93 : i32 to vector<16xi32>
        %scan3A_95 = arith.constant 0 : i32
        %scan3A_96 = arith.constant 313 : i32
        %scan3A_97 = arith.addi %scan3A_95, %scan3A_96 : i32
        %scan3A_98 = arith.constant 1 : i32
        %scan3A_99 = scf.for %scan3A_132 = %scan3A_95 to %scan3A_97 step %scan3A_98 iter_args(%scan3A_133 = %broadcast_in_dim3A_94) -> (vector<16xi32>)  : i32 {
          %mul3A_134 = arith.constant 16 : i32
          %mul3A_135 = arith.muli %scan3A_132, %mul3A_134 : i32
          %get3A = arith.index_cast %mul3A_135 : i32 to index
          %get3A_136 = tpu.vector_load %arg7[%get3A] {strides = array<i32>} : memref<5008xi32, #tpu.memory_space<vmem>>, vector<16xi32>,
          %get3A_137 = vector.shape_cast %get3A_136 : vector<16xi32> to vector<16xi32>
          %ge3A_138 = arith.cmpi sge, %get3A_137, %shift_right_arithmetic3A_92 : vector<16xi32>
          %jit3A_139 = arith.constant 1 : i32
          %jit3A_140 = arith.constant 0 : i32
          %broadcast_in_dim3A_141 = vector.broadcast %jit3A_139 : i32 to vector<16xi32>
          %broadcast_in_dim3A_142 = vector.broadcast %jit3A_140 : i32 to vector<16xi32>
          %select_n3A_143 = arith.select %ge3A_138, %broadcast_in_dim3A_141, %broadcast_in_dim3A_142 : vector<16xi1>, vector<16xi32>
          %add3A_144 = arith.addi %scan3A_133, %select_n3A_143 : vector<16xi32>
          scf.yield %add3A_144 : vector<16xi32>
        }
        %scan3A_100 = arith.constant 313 : i32
        %xor3A_101 = arith.constant 1 : i32
        %xor3A_102 = vector.broadcast %xor3A_101 : i32 to vector<16xi32>
        %xor3A_103 = arith.xori %iota3A, %xor3A_102 : vector<16xi32>
        %broadcast_in_dim3A_104 = vector.shape_cast %xor3A_103 : vector<16xi32> to vector<16x1xi32>
        %gather3A_105 = vector.shape_cast %broadcast_in_dim3A_104 : vector<16x1xi32> to vector<16xi32>
        %gather3A_106 = tpu.dynamic_gather %scan3A_99[%gather3A_105] in [0] : vector<16xi32>, vector<16xi32> -> vector<16xi32>
        %add3A_107 = arith.addi %scan3A_99, %gather3A_106 : vector<16xi32>
        %xor3A_108 = arith.constant 2 : i32
        %xor3A_109 = vector.broadcast %xor3A_108 : i32 to vector<16xi32>
        %xor3A_110 = arith.xori %iota3A, %xor3A_109 : vector<16xi32>
        %broadcast_in_dim3A_111 = vector.shape_cast %xor3A_110 : vector<16xi32> to vector<16x1xi32>
        %gather3A_112 = vector.shape_cast %broadcast_in_dim3A_111 : vector<16x1xi32> to vector<16xi32>
        %gather3A_113 = tpu.dynamic_gather %add3A_107[%gather3A_112] in [0] : vector<16xi32>, vector<16xi32> -> vector<16xi32>
        %add3A_114 = arith.addi %add3A_107, %gather3A_113 : vector<16xi32>
        %xor3A_115 = arith.constant 4 : i32
        %xor3A_116 = vector.broadcast %xor3A_115 : i32 to vector<16xi32>
        %xor3A_117 = arith.xori %iota3A, %xor3A_116 : vector<16xi32>
        %broadcast_in_dim3A_118 = vector.shape_cast %xor3A_117 : vector<16xi32> to vector<16x1xi32>
        %gather3A_119 = vector.shape_cast %broadcast_in_dim3A_118 : vector<16x1xi32> to vector<16xi32>
        %gather3A_120 = tpu.dynamic_gather %add3A_114[%gather3A_119] in [0] : vector<16xi32>, vector<16xi32> -> vector<16xi32>
        %add3A_121 = arith.addi %add3A_114, %gather3A_120 : vector<16xi32>
        %xor3A_122 = arith.constant 8 : i32
        %xor3A_123 = vector.broadcast %xor3A_122 : i32 to vector<16xi32>
        %xor3A_124 = arith.xori %iota3A, %xor3A_123 : vector<16xi32>
        %broadcast_in_dim3A_125 = vector.shape_cast %xor3A_124 : vector<16xi32> to vector<16x1xi32>
        %gather3A_126 = vector.shape_cast %broadcast_in_dim3A_125 : vector<16x1xi32> to vector<16xi32>
        %gather3A_127 = tpu.dynamic_gather %add3A_121[%gather3A_126] in [0] : vector<16xi32>, vector<16xi32> -> vector<16xi32>
        %add3A_128 = arith.addi %add3A_121, %gather3A_127 : vector<16xi32>
        %ge3A = vector.broadcast %add3A_19 : i32 to vector<16xi32>
        %ge3A_129 = arith.cmpi sge, %add3A_128, %ge3A : vector<16xi32>
        %select_n3A_130 = arith.select %ge3A_129, %shift_right_arithmetic3A_92, %scan3A_87 : vector<16xi1>, vector<16xi32>
        %select_n3A_131 = arith.select %ge3A_129, %scan3A_88, %shift_right_arithmetic3A_92 : vector<16xi1>, vector<16xi32>
        scf.yield %select_n3A_130, %select_n3A_131 : vector<16xi32>, vector<16xi32>
      }
      %scan3A_38 = arith.constant 12 : i32
      %add3A_39 = arith.constant 1 : i32
      %add3A_40 = vector.broadcast %add3A_39 : i32 to vector<16xi32>
      %add3A_41 = arith.addi %scan3A_37#0, %add3A_40 : vector<16xi32>
      %broadcast_in_dim3A_42 = arith.constant 0 : i32
      %broadcast_in_dim3A_43 = vector.broadcast %broadcast_in_dim3A_42 : i32 to vector<16xi32>
      %scan3A_44 = arith.constant 0 : i32
      %scan3A_45 = arith.constant 313 : i32
      %scan3A_46 = arith.addi %scan3A_44, %scan3A_45 : i32
      %scan3A_47 = arith.constant 1 : i32
      %scan3A_48 = scf.for %scan3A_86 = %scan3A_44 to %scan3A_46 step %scan3A_47 iter_args(%scan3A_87 = %broadcast_in_dim3A_43) -> (vector<16xi32>)  : i32 {
        %mul3A_88 = arith.constant 16 : i32
        %mul3A_89 = arith.muli %scan3A_86, %mul3A_88 : i32
        %get3A = arith.index_cast %mul3A_89 : i32 to index
        %get3A_90 = tpu.vector_load %arg7[%get3A] {strides = array<i32>} : memref<5008xi32, #tpu.memory_space<vmem>>, vector<16xi32>,
        %get3A_91 = vector.shape_cast %get3A_90 : vector<16xi32> to vector<16xi32>
        %ge3A = arith.cmpi sge, %get3A_91, %add3A_41 : vector<16xi32>
        %jit3A_92 = arith.constant 1 : i32
        %jit3A_93 = arith.constant 0 : i32
        %broadcast_in_dim3A_94 = vector.broadcast %jit3A_92 : i32 to vector<16xi32>
        %broadcast_in_dim3A_95 = vector.broadcast %jit3A_93 : i32 to vector<16xi32>
        %select_n3A_96 = arith.select %ge3A, %broadcast_in_dim3A_94, %broadcast_in_dim3A_95 : vector<16xi1>, vector<16xi32>
        %add3A_97 = arith.addi %scan3A_87, %select_n3A_96 : vector<16xi32>
        scf.yield %add3A_97 : vector<16xi32>
      }
      %scan3A_49 = arith.constant 313 : i32
      %xor3A = arith.constant 1 : i32
      %xor3A_50 = vector.broadcast %xor3A : i32 to vector<16xi32>
      %xor3A_51 = arith.xori %iota3A, %xor3A_50 : vector<16xi32>
      %broadcast_in_dim3A_52 = vector.shape_cast %xor3A_51 : vector<16xi32> to vector<16x1xi32>
      %gather3A = vector.shape_cast %broadcast_in_dim3A_52 : vector<16x1xi32> to vector<16xi32>
      %gather3A_53 = tpu.dynamic_gather %scan3A_48[%gather3A] in [0] : vector<16xi32>, vector<16xi32> -> vector<16xi32>
      %add3A_54 = arith.addi %scan3A_48, %gather3A_53 : vector<16xi32>
      %xor3A_55 = arith.constant 2 : i32
      %xor3A_56 = vector.broadcast %xor3A_55 : i32 to vector<16xi32>
      %xor3A_57 = arith.xori %iota3A, %xor3A_56 : vector<16xi32>
      %broadcast_in_dim3A_58 = vector.shape_cast %xor3A_57 : vector<16xi32> to vector<16x1xi32>
      %gather3A_59 = vector.shape_cast %broadcast_in_dim3A_58 : vector<16x1xi32> to vector<16xi32>
      %gather3A_60 = tpu.dynamic_gather %add3A_54[%gather3A_59] in [0] : vector<16xi32>, vector<16xi32> -> vector<16xi32>
      %add3A_61 = arith.addi %add3A_54, %gather3A_60 : vector<16xi32>
      %xor3A_62 = arith.constant 4 : i32
      %xor3A_63 = vector.broadcast %xor3A_62 : i32 to vector<16xi32>
      %xor3A_64 = arith.xori %iota3A, %xor3A_63 : vector<16xi32>
      %broadcast_in_dim3A_65 = vector.shape_cast %xor3A_64 : vector<16xi32> to vector<16x1xi32>
      %gather3A_66 = vector.shape_cast %broadcast_in_dim3A_65 : vector<16x1xi32> to vector<16xi32>
      %gather3A_67 = tpu.dynamic_gather %add3A_61[%gather3A_66] in [0] : vector<16xi32>, vector<16xi32> -> vector<16xi32>
      %add3A_68 = arith.addi %add3A_61, %gather3A_67 : vector<16xi32>
      %xor3A_69 = arith.constant 8 : i32
      %xor3A_70 = vector.broadcast %xor3A_69 : i32 to vector<16xi32>
      %xor3A_71 = arith.xori %iota3A, %xor3A_70 : vector<16xi32>
      %broadcast_in_dim3A_72 = vector.shape_cast %xor3A_71 : vector<16xi32> to vector<16x1xi32>
      %gather3A_73 = vector.shape_cast %broadcast_in_dim3A_72 : vector<16x1xi32> to vector<16xi32>
      %gather3A_74 = tpu.dynamic_gather %add3A_68[%gather3A_73] in [0] : vector<16xi32>, vector<16xi32> -> vector<16xi32>
      %add3A_75 = arith.addi %add3A_68, %gather3A_74 : vector<16xi32>
      %sub3A_76 = vector.broadcast %add3A_19 : i32 to vector<16xi32>
      %sub3A_77 = arith.subi %sub3A_76, %add3A_75 : vector<16xi32>
      %broadcast_in_dim3A_78 = arith.constant 0 : i32
      %broadcast_in_dim3A_79 = vector.broadcast %broadcast_in_dim3A_78 : i32 to vector<16xi32>
      %scan3A_80 = arith.constant 0 : i32
      %scan3A_81 = arith.constant 313 : i32
      %scan3A_82 = arith.addi %scan3A_80, %scan3A_81 : i32
      %scan3A_83 = arith.constant 1 : i32
      %scan3A_84 = scf.for %scan3A_86 = %scan3A_80 to %scan3A_82 step %scan3A_83 iter_args(%scan3A_87 = %broadcast_in_dim3A_79) -> (vector<16xi32>)  : i32 {
        %mul3A_88 = arith.constant 16 : i32
        %mul3A_89 = arith.muli %scan3A_86, %mul3A_88 : i32
        %get3A = arith.index_cast %mul3A_89 : i32 to index
        %get3A_90 = tpu.vector_load %arg7[%get3A] {strides = array<i32>} : memref<5008xi32, #tpu.memory_space<vmem>>, vector<16xi32>,
        %get3A_91 = vector.shape_cast %get3A_90 : vector<16xi32> to vector<16xi32>
        %gt3A = arith.constant 0 : i32
        %gt3A_92 = vector.broadcast %gt3A : i32 to vector<16xi32>
        %gt3A_93 = arith.cmpi sgt, %get3A_91, %gt3A_92 : vector<16xi32>
        %jit3A_94 = arith.constant 1 : i32
        %jit3A_95 = arith.constant 0 : i32
        %broadcast_in_dim3A_96 = vector.broadcast %jit3A_94 : i32 to vector<16xi32>
        %broadcast_in_dim3A_97 = vector.broadcast %jit3A_95 : i32 to vector<16xi32>
        %select_n3A_98 = arith.select %gt3A_93, %broadcast_in_dim3A_96, %broadcast_in_dim3A_97 : vector<16xi1>, vector<16xi32>
        %eq3A_99 = arith.cmpi eq, %get3A_91, %scan3A_37#0 : vector<16xi32>
        %jit3A_100 = arith.constant 1 : i32
        %jit3A_101 = arith.constant 0 : i32
        %broadcast_in_dim3A_102 = vector.broadcast %jit3A_100 : i32 to vector<16xi32>
        %broadcast_in_dim3A_103 = vector.broadcast %jit3A_101 : i32 to vector<16xi32>
        %select_n3A_104 = arith.select %eq3A_99, %broadcast_in_dim3A_102, %broadcast_in_dim3A_103 : vector<16xi1>, vector<16xi32>
        %sub3A_105 = arith.constant 1 : i32
        %sub3A_106 = vector.broadcast %sub3A_105 : i32 to vector<16xi32>
        %sub3A_107 = arith.subi %iota3A, %sub3A_106 : vector<16xi32>
        %max3A = arith.constant 0 : i32
        %max3A_108 = vector.broadcast %max3A : i32 to vector<16xi32>
        %max3A_109 = arith.maxsi %sub3A_107, %max3A_108 : vector<16xi32>
        %broadcast_in_dim3A_110 = vector.shape_cast %max3A_109 : vector<16xi32> to vector<16x1xi32>
        %gather3A_111 = vector.shape_cast %broadcast_in_dim3A_110 : vector<16x1xi32> to vector<16xi32>
        %gather3A_112 = tpu.dynamic_gather %select_n3A_104[%gather3A_111] in [0] : vector<16xi32>, vector<16xi32> -> vector<16xi32>
        %ge3A = arith.constant 1 : i32
        %ge3A_113 = vector.broadcast %ge3A : i32 to vector<16xi32>
        %ge3A_114 = arith.cmpi sge, %iota3A, %ge3A_113 : vector<16xi32>
        %jit3A_115 = arith.constant 0 : i32
        %broadcast_in_dim3A_116 = vector.broadcast %jit3A_115 : i32 to vector<16xi32>
        %select_n3A_117 = arith.select %ge3A_114, %gather3A_112, %broadcast_in_dim3A_116 : vector<16xi1>, vector<16xi32>
        %add3A_118 = arith.addi %select_n3A_104, %select_n3A_117 : vector<16xi32>
        %sub3A_119 = arith.constant 2 : i32
        %sub3A_120 = vector.broadcast %sub3A_119 : i32 to vector<16xi32>
        %sub3A_121 = arith.subi %iota3A, %sub3A_120 : vector<16xi32>
        %max3A_122 = arith.constant 0 : i32
        %max3A_123 = vector.broadcast %max3A_122 : i32 to vector<16xi32>
        %max3A_124 = arith.maxsi %sub3A_121, %max3A_123 : vector<16xi32>
        %broadcast_in_dim3A_125 = vector.shape_cast %max3A_124 : vector<16xi32> to vector<16x1xi32>
        %gather3A_126 = vector.shape_cast %broadcast_in_dim3A_125 : vector<16x1xi32> to vector<16xi32>
        %gather3A_127 = tpu.dynamic_gather %add3A_118[%gather3A_126] in [0] : vector<16xi32>, vector<16xi32> -> vector<16xi32>
        %ge3A_128 = arith.constant 2 : i32
        %ge3A_129 = vector.broadcast %ge3A_128 : i32 to vector<16xi32>
        %ge3A_130 = arith.cmpi sge, %iota3A, %ge3A_129 : vector<16xi32>
        %jit3A_131 = arith.constant 0 : i32
        %broadcast_in_dim3A_132 = vector.broadcast %jit3A_131 : i32 to vector<16xi32>
        %select_n3A_133 = arith.select %ge3A_130, %gather3A_127, %broadcast_in_dim3A_132 : vector<16xi1>, vector<16xi32>
        %add3A_134 = arith.addi %add3A_118, %select_n3A_133 : vector<16xi32>
        %sub3A_135 = arith.constant 4 : i32
        %sub3A_136 = vector.broadcast %sub3A_135 : i32 to vector<16xi32>
        %sub3A_137 = arith.subi %iota3A, %sub3A_136 : vector<16xi32>
        %max3A_138 = arith.constant 0 : i32
        %max3A_139 = vector.broadcast %max3A_138 : i32 to vector<16xi32>
        %max3A_140 = arith.maxsi %sub3A_137, %max3A_139 : vector<16xi32>
        %broadcast_in_dim3A_141 = vector.shape_cast %max3A_140 : vector<16xi32> to vector<16x1xi32>
        %gather3A_142 = vector.shape_cast %broadcast_in_dim3A_141 : vector<16x1xi32> to vector<16xi32>
        %gather3A_143 = tpu.dynamic_gather %add3A_134[%gather3A_142] in [0] : vector<16xi32>, vector<16xi32> -> vector<16xi32>
        %ge3A_144 = arith.constant 4 : i32
        %ge3A_145 = vector.broadcast %ge3A_144 : i32 to vector<16xi32>
        %ge3A_146 = arith.cmpi sge, %iota3A, %ge3A_145 : vector<16xi32>
        %jit3A_147 = arith.constant 0 : i32
        %broadcast_in_dim3A_148 = vector.broadcast %jit3A_147 : i32 to vector<16xi32>
        %select_n3A_149 = arith.select %ge3A_146, %gather3A_143, %broadcast_in_dim3A_148 : vector<16xi1>, vector<16xi32>
        %add3A_150 = arith.addi %add3A_134, %select_n3A_149 : vector<16xi32>
        %sub3A_151 = arith.constant 8 : i32
        %sub3A_152 = vector.broadcast %sub3A_151 : i32 to vector<16xi32>
        %sub3A_153 = arith.subi %iota3A, %sub3A_152 : vector<16xi32>
        %max3A_154 = arith.constant 0 : i32
        %max3A_155 = vector.broadcast %max3A_154 : i32 to vector<16xi32>
        %max3A_156 = arith.maxsi %sub3A_153, %max3A_155 : vector<16xi32>
        %broadcast_in_dim3A_157 = vector.shape_cast %max3A_156 : vector<16xi32> to vector<16x1xi32>
        %gather3A_158 = vector.shape_cast %broadcast_in_dim3A_157 : vector<16x1xi32> to vector<16xi32>
        %gather3A_159 = tpu.dynamic_gather %add3A_150[%gather3A_158] in [0] : vector<16xi32>, vector<16xi32> -> vector<16xi32>
        %ge3A_160 = arith.constant 8 : i32
        %ge3A_161 = vector.broadcast %ge3A_160 : i32 to vector<16xi32>
        %ge3A_162 = arith.cmpi sge, %iota3A, %ge3A_161 : vector<16xi32>
        %jit3A_163 = arith.constant 0 : i32
        %broadcast_in_dim3A_164 = vector.broadcast %jit3A_163 : i32 to vector<16xi32>
        %select_n3A_165 = arith.select %ge3A_162, %gather3A_159, %broadcast_in_dim3A_164 : vector<16xi1>, vector<16xi32>
        %add3A_166 = arith.addi %add3A_150, %select_n3A_165 : vector<16xi32>
        %add3A_167 = arith.addi %scan3A_87, %add3A_166 : vector<16xi32>
        %le3A = arith.cmpi sle, %add3A_167, %sub3A_77 : vector<16xi32>
        %jit3A_168 = arith.constant 1 : i32
        %jit3A_169 = arith.constant 0 : i32
        %broadcast_in_dim3A_170 = vector.broadcast %jit3A_168 : i32 to vector<16xi32>
        %broadcast_in_dim3A_171 = vector.broadcast %jit3A_169 : i32 to vector<16xi32>
        %select_n3A_172 = arith.select %le3A, %broadcast_in_dim3A_170, %broadcast_in_dim3A_171 : vector<16xi1>, vector<16xi32>
        %mul3A_173 = arith.muli %select_n3A_104, %select_n3A_172 : vector<16xi32>
        %gt3A_174 = arith.cmpi sgt, %get3A_91, %scan3A_37#0 : vector<16xi32>
        %jit3A_175 = arith.constant 1 : i32
        %jit3A_176 = arith.constant 0 : i32
        %broadcast_in_dim3A_177 = vector.broadcast %jit3A_175 : i32 to vector<16xi32>
        %broadcast_in_dim3A_178 = vector.broadcast %jit3A_176 : i32 to vector<16xi32>
        %select_n3A_179 = arith.select %gt3A_174, %broadcast_in_dim3A_177, %broadcast_in_dim3A_178 : vector<16xi1>, vector<16xi32>
        %add3A_180 = arith.addi %select_n3A_179, %mul3A_173 : vector<16xi32>
        %mul3A_181 = arith.muli %select_n3A_98, %add3A_180 : vector<16xi32>
        %mul3A_182 = arith.constant 16 : i32
        %mul3A_183 = arith.muli %scan3A_86, %mul3A_182 : i32
        %swap3A = arith.index_cast %mul3A_183 : i32 to index
        %swap3A_184 = tpu.vector_load %arg8[%swap3A] {strides = array<i32>} : memref<5008xi32, #tpu.memory_space<vmem>>, vector<16xi32>,
        %swap3A_185 = vector.shape_cast %swap3A_184 : vector<16xi32> to vector<16xi32>
        %swap3A_186 = vector.shape_cast %mul3A_181 : vector<16xi32> to vector<16xi32>
        tpu.vector_store %arg8[%swap3A], %swap3A_186 {strides = array<i32>} : memref<5008xi32, #tpu.memory_space<vmem>>, vector<16xi32>,
        %xor3A_187 = arith.constant 1 : i32
        %xor3A_188 = vector.broadcast %xor3A_187 : i32 to vector<16xi32>
        %xor3A_189 = arith.xori %iota3A, %xor3A_188 : vector<16xi32>
        %broadcast_in_dim3A_190 = vector.shape_cast %xor3A_189 : vector<16xi32> to vector<16x1xi32>
        %gather3A_191 = vector.shape_cast %broadcast_in_dim3A_190 : vector<16x1xi32> to vector<16xi32>
        %gather3A_192 = tpu.dynamic_gather %select_n3A_104[%gather3A_191] in [0] : vector<16xi32>, vector<16xi32> -> vector<16xi32>
        %add3A_193 = arith.addi %select_n3A_104, %gather3A_192 : vector<16xi32>
        %xor3A_194 = arith.constant 2 : i32
        %xor3A_195 = vector.broadcast %xor3A_194 : i32 to vector<16xi32>
        %xor3A_196 = arith.xori %iota3A, %xor3A_195 : vector<16xi32>
        %broadcast_in_dim3A_197 = vector.shape_cast %xor3A_196 : vector<16xi32> to vector<16x1xi32>
        %gather3A_198 = vector.shape_cast %broadcast_in_dim3A_197 : vector<16x1xi32> to vector<16xi32>
        %gather3A_199 = tpu.dynamic_gather %add3A_193[%gather3A_198] in [0] : vector<16xi32>, vector<16xi32> -> vector<16xi32>
        %add3A_200 = arith.addi %add3A_193, %gather3A_199 : vector<16xi32>
        %xor3A_201 = arith.constant 4 : i32
        %xor3A_202 = vector.broadcast %xor3A_201 : i32 to vector<16xi32>
        %xor3A_203 = arith.xori %iota3A, %xor3A_202 : vector<16xi32>
        %broadcast_in_dim3A_204 = vector.shape_cast %xor3A_203 : vector<16xi32> to vector<16x1xi32>
        %gather3A_205 = vector.shape_cast %broadcast_in_dim3A_204 : vector<16x1xi32> to vector<16xi32>
        %gather3A_206 = tpu.dynamic_gather %add3A_200[%gather3A_205] in [0] : vector<16xi32>, vector<16xi32> -> vector<16xi32>
        %add3A_207 = arith.addi %add3A_200, %gather3A_206 : vector<16xi32>
        %xor3A_208 = arith.constant 8 : i32
        %xor3A_209 = vector.broadcast %xor3A_208 : i32 to vector<16xi32>
        %xor3A_210 = arith.xori %iota3A, %xor3A_209 : vector<16xi32>
        %broadcast_in_dim3A_211 = vector.shape_cast %xor3A_210 : vector<16xi32> to vector<16x1xi32>
        %gather3A_212 = vector.shape_cast %broadcast_in_dim3A_211 : vector<16x1xi32> to vector<16xi32>
        %gather3A_213 = tpu.dynamic_gather %add3A_207[%gather3A_212] in [0] : vector<16xi32>, vector<16xi32> -> vector<16xi32>
        %add3A_214 = arith.addi %add3A_207, %gather3A_213 : vector<16xi32>
        %add3A_215 = arith.addi %scan3A_87, %add3A_214 : vector<16xi32>
        scf.yield %add3A_215 : vector<16xi32>
      }
      %scan3A_85 = arith.constant 313 : i32
      "tpu.region"() ({
        %run_scoped3A = tpu.sem_alloc : memref<!tpu.dma_semaphore, #tpu.memory_space<semaphore_mem>>
        %dma_start3A = arith.constant 0 : i32
        %dma_start3A_86 = tpu.memref_slice %arg4[%select_n3A_13, %shift_right_arithmetic3A_3, %dma_start3A] : memref<2x8x5008xi32, #tpu.memory_space<hbm>> -> memref<1x1x5008xi32, #tpu.memory_space<hbm>>
        %dma_start3A_87 = tpu.memref_squeeze %dma_start3A_86 : memref<1x1x5008xi32, #tpu.memory_space<hbm>> -> memref<5008xi32, #tpu.memory_space<hbm>>
        %dma_start3A_88 = arith.constant 0 : i32
        %dma_start3A_89 = tpu.memref_slice %arg4[%select_n3A_13, %shift_right_arithmetic3A_3, %dma_start3A_88] : memref<2x8x5008xi32, #tpu.memory_space<hbm>> -> memref<1x1x5008xi32, #tpu.memory_space<hbm>>
        %dma_start3A_90 = tpu.memref_squeeze %dma_start3A_89 : memref<1x1x5008xi32, #tpu.memory_space<hbm>> -> memref<5008xi32, #tpu.memory_space<hbm>>
        tpu.enqueue_dma source(%arg8 : memref<5008xi32, #tpu.memory_space<vmem>>) target(%dma_start3A_90 : memref<5008xi32, #tpu.memory_space<hbm>>) target_semaphore(%run_scoped3A : memref<!tpu.dma_semaphore, #tpu.memory_space<semaphore_mem>>)
        %dma_wait3A = arith.constant 0 : i32
        %dma_wait3A_91 = tpu.memref_slice %arg4[%select_n3A_13, %shift_right_arithmetic3A_3, %dma_wait3A] : memref<2x8x5008xi32, #tpu.memory_space<hbm>> -> memref<1x1x5008xi32, #tpu.memory_space<hbm>>
        %dma_wait3A_92 = tpu.memref_squeeze %dma_wait3A_91 : memref<1x1x5008xi32, #tpu.memory_space<hbm>> -> memref<5008xi32, #tpu.memory_space<hbm>>
        %dma_wait3A_93 = arith.constant 0 : i32
        %dma_wait3A_94 = tpu.memref_slice %arg4[%select_n3A_13, %shift_right_arithmetic3A_3, %dma_wait3A_93] : memref<2x8x5008xi32, #tpu.memory_space<hbm>> -> memref<1x1x5008xi32, #tpu.memory_space<hbm>>
        %dma_wait3A_95 = tpu.memref_squeeze %dma_wait3A_94 : memref<1x1x5008xi32, #tpu.memory_space<hbm>> -> memref<5008xi32, #tpu.memory_space<hbm>>
        tpu.wait_dma2 semaphore(%run_scoped3A : memref<!tpu.dma_semaphore, #tpu.memory_space<semaphore_mem>>) src(%arg8 : memref<5008xi32, #tpu.memory_space<vmem>>) dst(%dma_wait3A_95 : memref<5008xi32, #tpu.memory_space<hbm>>)
        tpu.yield
      }) : () -> ()
    } else {
    }
    return
  }
}

module attributes {stable_mosaic.version = 14 : i64} {
  func.func @_phase1_body(%arg0: i32, %arg1: memref<1x4x5000xf32, #tpu.memory_space<vmem>>, %arg2: memref<1x100x4xf32, #tpu.memory_space<vmem>>, %arg3: memref<1x100x1xi32, #tpu.memory_space<vmem>>, %arg4: memref<1x1x5000xf32, #tpu.memory_space<vmem>>, %arg5: memref<1x1x5000xi32, #tpu.memory_space<vmem>>, %arg6: memref<1x4x5000xf32, #tpu.memory_space<vmem>>) attributes {dimension_semantics = [#tpu.dimension_semantics<arbitrary>], iteration_bounds = array<i64: 8>, scalar_prefetch = 0 : i64, scratch_operands = 0 : i64, tpu.core_type = #tpu.core_type<tc>, window_params = [{transform_indices = @transform_0, window_bounds = array<i64: 1, 4, 5000>}, {transform_indices = @transform_1, window_bounds = array<i64: 1, 100, 4>}, {transform_indices = @transform_2, window_bounds = array<i64: 1, 100, 1>}, {transform_indices = @transform_3, window_bounds = array<i64: 1, 1, 5000>}, {transform_indices = @transform_4, window_bounds = array<i64: 1, 1, 5000>}, {transform_indices = @transform_5, window_bounds = array<i64: 1, 4, 5000>}]} {
    %get3A = arith.constant 0 : index
    %get3A_0 = arith.constant 0 : index
    %get3A_1 = arith.constant 0 : index
    %get3A_2 = vector.load %arg1[%get3A, %get3A_0, %get3A_1] : memref<1x4x5000xf32, #tpu.memory_space<vmem>>, vector<1x4x5000xf32>
    %get3A_3 = vector.shape_cast %get3A_2 : vector<1x4x5000xf32> to vector<4x5000xf32>
    %slice3A = vector.extract_strided_slice %get3A_3 {offsets = [0, 0], sizes = [1, 5000], strides = [1, 1]} : vector<4x5000xf32> to vector<1x5000xf32>
    %slice3A_4 = vector.extract_strided_slice %get3A_3 {offsets = [1, 0], sizes = [1, 5000], strides = [1, 1]} : vector<4x5000xf32> to vector<1x5000xf32>
    %slice3A_5 = vector.extract_strided_slice %get3A_3 {offsets = [2, 0], sizes = [1, 5000], strides = [1, 1]} : vector<4x5000xf32> to vector<1x5000xf32>
    %slice3A_6 = vector.extract_strided_slice %get3A_3 {offsets = [3, 0], sizes = [1, 5000], strides = [1, 1]} : vector<4x5000xf32> to vector<1x5000xf32>
    %get3A_7 = arith.constant 0 : index
    %get3A_8 = arith.constant 0 : index
    %get3A_9 = arith.constant 0 : index
    %get3A_10 = vector.load %arg2[%get3A_7, %get3A_8, %get3A_9] : memref<1x100x4xf32, #tpu.memory_space<vmem>>, vector<1x100x4xf32>
    %get3A_11 = vector.shape_cast %get3A_10 : vector<1x100x4xf32> to vector<100x4xf32>
    %slice3A_12 = vector.extract_strided_slice %get3A_11 {offsets = [0, 0], sizes = [100, 1], strides = [1, 1]} : vector<100x4xf32> to vector<100x1xf32>
    %slice3A_13 = vector.extract_strided_slice %get3A_11 {offsets = [0, 1], sizes = [100, 1], strides = [1, 1]} : vector<100x4xf32> to vector<100x1xf32>
    %slice3A_14 = vector.extract_strided_slice %get3A_11 {offsets = [0, 2], sizes = [100, 1], strides = [1, 1]} : vector<100x4xf32> to vector<100x1xf32>
    %slice3A_15 = vector.extract_strided_slice %get3A_11 {offsets = [0, 3], sizes = [100, 1], strides = [1, 1]} : vector<100x4xf32> to vector<100x1xf32>
    %get3A_16 = arith.constant 0 : index
    %get3A_17 = arith.constant 0 : index
    %get3A_18 = arith.constant 0 : index
    %get3A_19 = vector.load %arg3[%get3A_16, %get3A_17, %get3A_18] : memref<1x100x1xi32, #tpu.memory_space<vmem>>, vector<1x100x1xi32>
    %get3A_20 = vector.shape_cast %get3A_19 : vector<1x100x1xi32> to vector<100x1xi32>
    %max3A = vector.broadcast %slice3A_4 : vector<1x5000xf32> to vector<100x5000xf32>
    %max3A_21 = vector.broadcast %slice3A_13 : vector<100x1xf32> to vector<100x5000xf32>
    %max3A_22 = arith.maximumf %max3A, %max3A_21 : vector<100x5000xf32>
    %max3A_23 = vector.broadcast %slice3A : vector<1x5000xf32> to vector<100x5000xf32>
    %max3A_24 = vector.broadcast %slice3A_12 : vector<100x1xf32> to vector<100x5000xf32>
    %max3A_25 = arith.maximumf %max3A_23, %max3A_24 : vector<100x5000xf32>
    %min3A = vector.broadcast %slice3A_6 : vector<1x5000xf32> to vector<100x5000xf32>
    %min3A_26 = vector.broadcast %slice3A_15 : vector<100x1xf32> to vector<100x5000xf32>
    %min3A_27 = arith.minimumf %min3A, %min3A_26 : vector<100x5000xf32>
    %min3A_28 = vector.broadcast %slice3A_5 : vector<1x5000xf32> to vector<100x5000xf32>
    %min3A_29 = vector.broadcast %slice3A_14 : vector<100x1xf32> to vector<100x5000xf32>
    %min3A_30 = arith.minimumf %min3A_28, %min3A_29 : vector<100x5000xf32>
    %sub3A = arith.subf %min3A_27, %max3A_22 : vector<100x5000xf32>
    %max3A_31 = arith.constant 0.000000e+00 : f32
    %max3A_32 = vector.broadcast %max3A_31 : f32 to vector<100x5000xf32>
    %max3A_33 = arith.maximumf %sub3A, %max3A_32 : vector<100x5000xf32>
    %sub3A_34 = arith.subf %min3A_30, %max3A_25 : vector<100x5000xf32>
    %max3A_35 = arith.constant 0.000000e+00 : f32
    %max3A_36 = vector.broadcast %max3A_35 : f32 to vector<100x5000xf32>
    %max3A_37 = arith.maximumf %sub3A_34, %max3A_36 : vector<100x5000xf32>
    %mul3A = arith.mulf %max3A_33, %max3A_37 : vector<100x5000xf32>
    %sub3A_38 = arith.subf %slice3A_5, %slice3A : vector<1x5000xf32>
    %sub3A_39 = arith.subf %slice3A_6, %slice3A_4 : vector<1x5000xf32>
    %mul3A_40 = arith.mulf %sub3A_38, %sub3A_39 : vector<1x5000xf32>
    %sub3A_41 = arith.subf %slice3A_14, %slice3A_12 : vector<100x1xf32>
    %sub3A_42 = arith.subf %slice3A_15, %slice3A_13 : vector<100x1xf32>
    %mul3A_43 = arith.mulf %sub3A_41, %sub3A_42 : vector<100x1xf32>
    %add3A = vector.broadcast %mul3A_40 : vector<1x5000xf32> to vector<100x5000xf32>
    %add3A_44 = vector.broadcast %mul3A_43 : vector<100x1xf32> to vector<100x5000xf32>
    %add3A_45 = arith.addf %add3A, %add3A_44 : vector<100x5000xf32>
    %sub3A_46 = arith.subf %add3A_45, %mul3A : vector<100x5000xf32>
    %max3A_47 = arith.constant 1.000000e-07 : f32
    %max3A_48 = vector.broadcast %max3A_47 : f32 to vector<100x5000xf32>
    %max3A_49 = arith.maximumf %sub3A_46, %max3A_48 : vector<100x5000xf32>
    %div3A = arith.divf %mul3A, %max3A_49 : vector<100x5000xf32>
    %reduce_max3A = arith.constant dense<0xFF800000> : vector<5000xf32>
    %reduce_max3A_50 = vector.multi_reduction <maximumf>, %div3A, %reduce_max3A [0] : vector<100x5000xf32> to vector<5000xf32>
    %broadcast_in_dim3A = vector.shape_cast %reduce_max3A_50 : vector<5000xf32> to vector<1x5000xf32>
    %iota3A = tpu.iota {dimensions = array<i32: 0>} : vector<100x5000xi32>
    %eq3A = vector.broadcast %broadcast_in_dim3A : vector<1x5000xf32> to vector<100x5000xf32>
    %eq3A_51 = arith.cmpf oeq, %div3A, %eq3A : vector<100x5000xf32>
    %jit3A = arith.constant 100 : i32
    %broadcast_in_dim3A_52 = vector.broadcast %jit3A : i32 to vector<100x5000xi32>
    %select_n3A = arith.select %eq3A_51, %iota3A, %broadcast_in_dim3A_52 : vector<100x5000xi1>, vector<100x5000xi32>
    %reduce_min3A = arith.constant dense<2147483647> : vector<5000xi32>
    %reduce_min3A_53 = vector.multi_reduction <minsi>, %select_n3A, %reduce_min3A [0] : vector<100x5000xi32> to vector<5000xi32>
    %broadcast_in_dim3A_54 = vector.shape_cast %reduce_min3A_53 : vector<5000xi32> to vector<1x5000xi32>
    %eq3A_55 = vector.broadcast %broadcast_in_dim3A_54 : vector<1x5000xi32> to vector<100x5000xi32>
    %eq3A_56 = arith.cmpi eq, %iota3A, %eq3A_55 : vector<100x5000xi32>
    %jit3A_57 = arith.constant 0.000000e+00 : f32
    %broadcast_in_dim3A_58 = vector.shape_cast %slice3A_12 : vector<100x1xf32> to vector<100x1xf32>
    %broadcast_in_dim3A_59 = vector.broadcast %broadcast_in_dim3A_58 : vector<100x1xf32> to vector<100x5000xf32>
    %broadcast_in_dim3A_60 = vector.broadcast %jit3A_57 : f32 to vector<100x5000xf32>
    %select_n3A_61 = arith.select %eq3A_56, %broadcast_in_dim3A_59, %broadcast_in_dim3A_60 : vector<100x5000xi1>, vector<100x5000xf32>
    %reduce_sum3A = arith.constant dense<0.000000e+00> : vector<5000xf32>
    %reduce_sum3A_62 = vector.multi_reduction <add>, %select_n3A_61, %reduce_sum3A [0] : vector<100x5000xf32> to vector<5000xf32>
    %broadcast_in_dim3A_63 = vector.shape_cast %reduce_sum3A_62 : vector<5000xf32> to vector<1x5000xf32>
    %jit3A_64 = arith.constant 0.000000e+00 : f32
    %broadcast_in_dim3A_65 = vector.shape_cast %slice3A_13 : vector<100x1xf32> to vector<100x1xf32>
    %broadcast_in_dim3A_66 = vector.broadcast %broadcast_in_dim3A_65 : vector<100x1xf32> to vector<100x5000xf32>
    %broadcast_in_dim3A_67 = vector.broadcast %jit3A_64 : f32 to vector<100x5000xf32>
    %select_n3A_68 = arith.select %eq3A_56, %broadcast_in_dim3A_66, %broadcast_in_dim3A_67 : vector<100x5000xi1>, vector<100x5000xf32>
    %reduce_sum3A_69 = arith.constant dense<0.000000e+00> : vector<5000xf32>
    %reduce_sum3A_70 = vector.multi_reduction <add>, %select_n3A_68, %reduce_sum3A_69 [0] : vector<100x5000xf32> to vector<5000xf32>
    %broadcast_in_dim3A_71 = vector.shape_cast %reduce_sum3A_70 : vector<5000xf32> to vector<1x5000xf32>
    %jit3A_72 = arith.constant 0.000000e+00 : f32
    %broadcast_in_dim3A_73 = vector.shape_cast %slice3A_14 : vector<100x1xf32> to vector<100x1xf32>
    %broadcast_in_dim3A_74 = vector.broadcast %broadcast_in_dim3A_73 : vector<100x1xf32> to vector<100x5000xf32>
    %broadcast_in_dim3A_75 = vector.broadcast %jit3A_72 : f32 to vector<100x5000xf32>
    %select_n3A_76 = arith.select %eq3A_56, %broadcast_in_dim3A_74, %broadcast_in_dim3A_75 : vector<100x5000xi1>, vector<100x5000xf32>
    %reduce_sum3A_77 = arith.constant dense<0.000000e+00> : vector<5000xf32>
    %reduce_sum3A_78 = vector.multi_reduction <add>, %select_n3A_76, %reduce_sum3A_77 [0] : vector<100x5000xf32> to vector<5000xf32>
    %broadcast_in_dim3A_79 = vector.shape_cast %reduce_sum3A_78 : vector<5000xf32> to vector<1x5000xf32>
    %jit3A_80 = arith.constant 0.000000e+00 : f32
    %broadcast_in_dim3A_81 = vector.shape_cast %slice3A_15 : vector<100x1xf32> to vector<100x1xf32>
    %broadcast_in_dim3A_82 = vector.broadcast %broadcast_in_dim3A_81 : vector<100x1xf32> to vector<100x5000xf32>
    %broadcast_in_dim3A_83 = vector.broadcast %jit3A_80 : f32 to vector<100x5000xf32>
    %select_n3A_84 = arith.select %eq3A_56, %broadcast_in_dim3A_82, %broadcast_in_dim3A_83 : vector<100x5000xi1>, vector<100x5000xf32>
    %reduce_sum3A_85 = arith.constant dense<0.000000e+00> : vector<5000xf32>
    %reduce_sum3A_86 = vector.multi_reduction <add>, %select_n3A_84, %reduce_sum3A_85 [0] : vector<100x5000xf32> to vector<5000xf32>
    %broadcast_in_dim3A_87 = vector.shape_cast %reduce_sum3A_86 : vector<5000xf32> to vector<1x5000xf32>
    %jit3A_88 = arith.constant 0 : i32
    %broadcast_in_dim3A_89 = vector.shape_cast %get3A_20 : vector<100x1xi32> to vector<100x1xi32>
    %broadcast_in_dim3A_90 = vector.broadcast %broadcast_in_dim3A_89 : vector<100x1xi32> to vector<100x5000xi32>
    %broadcast_in_dim3A_91 = vector.broadcast %jit3A_88 : i32 to vector<100x5000xi32>
    %select_n3A_92 = arith.select %eq3A_56, %broadcast_in_dim3A_90, %broadcast_in_dim3A_91 : vector<100x5000xi1>, vector<100x5000xi32>
    %reduce_sum3A_93 = arith.constant dense<0> : vector<5000xi32>
    %reduce_sum3A_94 = vector.multi_reduction <add>, %select_n3A_92, %reduce_sum3A_93 [0] : vector<100x5000xi32> to vector<5000xi32>
    %broadcast_in_dim3A_95 = vector.shape_cast %reduce_sum3A_94 : vector<5000xi32> to vector<1x5000xi32>
    %swap3A = arith.constant 0 : index
    %swap3A_96 = arith.constant 0 : index
    %swap3A_97 = arith.constant 0 : index
    %swap3A_98 = vector.load %arg4[%swap3A, %swap3A_96, %swap3A_97] : memref<1x1x5000xf32, #tpu.memory_space<vmem>>, vector<1x1x5000xf32>
    %swap3A_99 = vector.shape_cast %swap3A_98 : vector<1x1x5000xf32> to vector<1x5000xf32>
    %swap3A_100 = vector.shape_cast %broadcast_in_dim3A : vector<1x5000xf32> to vector<1x1x5000xf32>
    tpu.vector_store %arg4[%swap3A, %swap3A_96, %swap3A_97], %swap3A_100 {strides = array<i32>} : memref<1x1x5000xf32, #tpu.memory_space<vmem>>, vector<1x1x5000xf32>,
    %swap3A_101 = arith.constant 0 : index
    %swap3A_102 = arith.constant 0 : index
    %swap3A_103 = arith.constant 0 : index
    %swap3A_104 = vector.load %arg5[%swap3A_101, %swap3A_102, %swap3A_103] : memref<1x1x5000xi32, #tpu.memory_space<vmem>>, vector<1x1x5000xi32>
    %swap3A_105 = vector.shape_cast %swap3A_104 : vector<1x1x5000xi32> to vector<1x5000xi32>
    %swap3A_106 = vector.shape_cast %broadcast_in_dim3A_95 : vector<1x5000xi32> to vector<1x1x5000xi32>
    tpu.vector_store %arg5[%swap3A_101, %swap3A_102, %swap3A_103], %swap3A_106 {strides = array<i32>} : memref<1x1x5000xi32, #tpu.memory_space<vmem>>, vector<1x1x5000xi32>,
    %sub3A_107 = arith.subf %slice3A_6, %slice3A_4 : vector<1x5000xf32>
    %sub3A_108 = arith.subf %slice3A_5, %slice3A : vector<1x5000xf32>
    %mul3A_109 = arith.constant 5.000000e-01 : f32
    %mul3A_110 = vector.broadcast %mul3A_109 : f32 to vector<1x5000xf32>
    %mul3A_111 = arith.mulf %mul3A_110, %sub3A_107 : vector<1x5000xf32>
    %add3A_112 = arith.addf %slice3A_4, %mul3A_111 : vector<1x5000xf32>
    %mul3A_113 = arith.constant 5.000000e-01 : f32
    %mul3A_114 = vector.broadcast %mul3A_113 : f32 to vector<1x5000xf32>
    %mul3A_115 = arith.mulf %mul3A_114, %sub3A_108 : vector<1x5000xf32>
    %add3A_116 = arith.addf %slice3A, %mul3A_115 : vector<1x5000xf32>
    %sub3A_117 = arith.subf %broadcast_in_dim3A_87, %broadcast_in_dim3A_71 : vector<1x5000xf32>
    %sub3A_118 = arith.subf %broadcast_in_dim3A_79, %broadcast_in_dim3A_63 : vector<1x5000xf32>
    %mul3A_119 = arith.constant 5.000000e-01 : f32
    %mul3A_120 = vector.broadcast %mul3A_119 : f32 to vector<1x5000xf32>
    %mul3A_121 = arith.mulf %mul3A_120, %sub3A_117 : vector<1x5000xf32>
    %add3A_122 = arith.addf %broadcast_in_dim3A_71, %mul3A_121 : vector<1x5000xf32>
    %mul3A_123 = arith.constant 5.000000e-01 : f32
    %mul3A_124 = vector.broadcast %mul3A_123 : f32 to vector<1x5000xf32>
    %mul3A_125 = arith.mulf %mul3A_124, %sub3A_118 : vector<1x5000xf32>
    %add3A_126 = arith.addf %broadcast_in_dim3A_63, %mul3A_125 : vector<1x5000xf32>
    %eq3A_127 = arith.constant 0.000000e+00 : f32
    %eq3A_128 = vector.broadcast %eq3A_127 : f32 to vector<1x5000xf32>
    %eq3A_129 = arith.cmpf oeq, %sub3A_107, %eq3A_128 : vector<1x5000xf32>
    %jit3A_130 = arith.constant 1.000000e-03 : f32
    %broadcast_in_dim3A_131 = vector.broadcast %jit3A_130 : f32 to vector<1x5000xf32>
    %select_n3A_132 = arith.select %eq3A_129, %broadcast_in_dim3A_131, %sub3A_107 : vector<1x5000xi1>, vector<1x5000xf32>
    %eq3A_133 = arith.constant 0.000000e+00 : f32
    %eq3A_134 = vector.broadcast %eq3A_133 : f32 to vector<1x5000xf32>
    %eq3A_135 = arith.cmpf oeq, %sub3A_108, %eq3A_134 : vector<1x5000xf32>
    %jit3A_136 = arith.constant 1.000000e-03 : f32
    %broadcast_in_dim3A_137 = vector.broadcast %jit3A_136 : f32 to vector<1x5000xf32>
    %select_n3A_138 = arith.select %eq3A_135, %broadcast_in_dim3A_137, %sub3A_108 : vector<1x5000xi1>, vector<1x5000xf32>
    %eq3A_139 = arith.constant 0.000000e+00 : f32
    %eq3A_140 = vector.broadcast %eq3A_139 : f32 to vector<1x5000xf32>
    %eq3A_141 = arith.cmpf oeq, %sub3A_117, %eq3A_140 : vector<1x5000xf32>
    %sub3A_142 = arith.subf %add3A_122, %add3A_112 : vector<1x5000xf32>
    %div3A_143 = arith.divf %sub3A_142, %select_n3A_132 : vector<1x5000xf32>
    %jit3A_144 = arith.constant 0.000000e+00 : f32
    %broadcast_in_dim3A_145 = vector.broadcast %jit3A_144 : f32 to vector<1x5000xf32>
    %select_n3A_146 = arith.select %eq3A_141, %broadcast_in_dim3A_145, %div3A_143 : vector<1x5000xi1>, vector<1x5000xf32>
    %mul3A_147 = arith.constant 1.000000e+01 : f32
    %mul3A_148 = vector.broadcast %mul3A_147 : f32 to vector<1x5000xf32>
    %mul3A_149 = arith.mulf %select_n3A_146, %mul3A_148 : vector<1x5000xf32>
    %eq3A_150 = arith.constant 0.000000e+00 : f32
    %eq3A_151 = vector.broadcast %eq3A_150 : f32 to vector<1x5000xf32>
    %eq3A_152 = arith.cmpf oeq, %sub3A_118, %eq3A_151 : vector<1x5000xf32>
    %sub3A_153 = arith.subf %add3A_126, %add3A_116 : vector<1x5000xf32>
    %div3A_154 = arith.divf %sub3A_153, %select_n3A_138 : vector<1x5000xf32>
    %jit3A_155 = arith.constant 0.000000e+00 : f32
    %broadcast_in_dim3A_156 = vector.broadcast %jit3A_155 : f32 to vector<1x5000xf32>
    %select_n3A_157 = arith.select %eq3A_152, %broadcast_in_dim3A_156, %div3A_154 : vector<1x5000xi1>, vector<1x5000xf32>
    %mul3A_158 = arith.constant 1.000000e+01 : f32
    %mul3A_159 = vector.broadcast %mul3A_158 : f32 to vector<1x5000xf32>
    %mul3A_160 = arith.mulf %select_n3A_157, %mul3A_159 : vector<1x5000xf32>
    %eq3A_161 = arith.constant 0.000000e+00 : f32
    %eq3A_162 = vector.broadcast %eq3A_161 : f32 to vector<1x5000xf32>
    %eq3A_163 = arith.cmpf oeq, %sub3A_117, %eq3A_162 : vector<1x5000xf32>
    %eq3A_164 = arith.constant 0.000000e+00 : f32
    %eq3A_165 = vector.broadcast %eq3A_164 : f32 to vector<1x5000xf32>
    %eq3A_166 = arith.cmpf oeq, %sub3A_117, %eq3A_165 : vector<1x5000xf32>
    %div3A_167 = arith.divf %sub3A_117, %select_n3A_132 : vector<1x5000xf32>
    %jit3A_168 = arith.constant 1.000000e+00 : f32
    %broadcast_in_dim3A_169 = vector.broadcast %jit3A_168 : f32 to vector<1x5000xf32>
    %select_n3A_170 = arith.select %eq3A_166, %broadcast_in_dim3A_169, %div3A_167 : vector<1x5000xi1>, vector<1x5000xf32>
    %log3A = math.log %select_n3A_170 : vector<1x5000xf32>
    %jit3A_171 = arith.constant 0.000000e+00 : f32
    %broadcast_in_dim3A_172 = vector.broadcast %jit3A_171 : f32 to vector<1x5000xf32>
    %select_n3A_173 = arith.select %eq3A_163, %broadcast_in_dim3A_172, %log3A : vector<1x5000xi1>, vector<1x5000xf32>
    %mul3A_174 = arith.constant 5.000000e+00 : f32
    %mul3A_175 = vector.broadcast %mul3A_174 : f32 to vector<1x5000xf32>
    %mul3A_176 = arith.mulf %select_n3A_173, %mul3A_175 : vector<1x5000xf32>
    %eq3A_177 = arith.constant 0.000000e+00 : f32
    %eq3A_178 = vector.broadcast %eq3A_177 : f32 to vector<1x5000xf32>
    %eq3A_179 = arith.cmpf oeq, %sub3A_118, %eq3A_178 : vector<1x5000xf32>
    %eq3A_180 = arith.constant 0.000000e+00 : f32
    %eq3A_181 = vector.broadcast %eq3A_180 : f32 to vector<1x5000xf32>
    %eq3A_182 = arith.cmpf oeq, %sub3A_118, %eq3A_181 : vector<1x5000xf32>
    %div3A_183 = arith.divf %sub3A_118, %select_n3A_138 : vector<1x5000xf32>
    %jit3A_184 = arith.constant 1.000000e+00 : f32
    %broadcast_in_dim3A_185 = vector.broadcast %jit3A_184 : f32 to vector<1x5000xf32>
    %select_n3A_186 = arith.select %eq3A_182, %broadcast_in_dim3A_185, %div3A_183 : vector<1x5000xi1>, vector<1x5000xf32>
    %log3A_187 = math.log %select_n3A_186 : vector<1x5000xf32>
    %jit3A_188 = arith.constant 0.000000e+00 : f32
    %broadcast_in_dim3A_189 = vector.broadcast %jit3A_188 : f32 to vector<1x5000xf32>
    %select_n3A_190 = arith.select %eq3A_179, %broadcast_in_dim3A_189, %log3A_187 : vector<1x5000xi1>, vector<1x5000xf32>
    %mul3A_191 = arith.constant 5.000000e+00 : f32
    %mul3A_192 = vector.broadcast %mul3A_191 : f32 to vector<1x5000xf32>
    %mul3A_193 = arith.mulf %select_n3A_190, %mul3A_192 : vector<1x5000xf32>
    %concatenate3A = tpu.concatenate %mul3A_160, %mul3A_149, %mul3A_193, %mul3A_176 in 0 : vector<1x5000xf32>, vector<1x5000xf32>, vector<1x5000xf32>, vector<1x5000xf32> -> vector<4x5000xf32>
    %swap3A_194 = arith.constant 0 : index
    %swap3A_195 = arith.constant 0 : index
    %swap3A_196 = arith.constant 0 : index
    %swap3A_197 = vector.load %arg6[%swap3A_194, %swap3A_195, %swap3A_196] : memref<1x4x5000xf32, #tpu.memory_space<vmem>>, vector<1x4x5000xf32>
    %swap3A_198 = vector.shape_cast %swap3A_197 : vector<1x4x5000xf32> to vector<4x5000xf32>
    %swap3A_199 = vector.shape_cast %concatenate3A : vector<4x5000xf32> to vector<1x4x5000xf32>
    tpu.vector_store %arg6[%swap3A_194, %swap3A_195, %swap3A_196], %swap3A_199 {strides = array<i32>} : memref<1x4x5000xf32, #tpu.memory_space<vmem>>, vector<1x4x5000xf32>,
    return
  }
  func.func @transform_0(%arg0: i32) -> (i32, i32, i32) {
    %c0_i32 = arith.constant 0 : i32
    %c0_i32_0 = arith.constant 0 : i32
    %c0_i32_1 = arith.constant 0 : i32
    return %arg0, %c0_i32, %c0_i32_0 : i32, i32, i32
  }
  func.func @transform_1(%arg0: i32) -> (i32, i32, i32) {
    %c0_i32 = arith.constant 0 : i32
    %c0_i32_0 = arith.constant 0 : i32
    %c0_i32_1 = arith.constant 0 : i32
    return %arg0, %c0_i32, %c0_i32_0 : i32, i32, i32
  }
  func.func @transform_2(%arg0: i32) -> (i32, i32, i32) {
    %c0_i32 = arith.constant 0 : i32
    %c0_i32_0 = arith.constant 0 : i32
    %c0_i32_1 = arith.constant 0 : i32
    return %arg0, %c0_i32, %c0_i32_0 : i32, i32, i32
  }
  func.func @transform_3(%arg0: i32) -> (i32, i32, i32) {
    %c0_i32 = arith.constant 0 : i32
    %c0_i32_0 = arith.constant 0 : i32
    %c0_i32_1 = arith.constant 0 : i32
    return %arg0, %c0_i32, %c0_i32_0 : i32, i32, i32
  }
  func.func @transform_4(%arg0: i32) -> (i32, i32, i32) {
    %c0_i32 = arith.constant 0 : i32
    %c0_i32_0 = arith.constant 0 : i32
    %c0_i32_1 = arith.constant 0 : i32
    return %arg0, %c0_i32, %c0_i32_0 : i32, i32, i32
  }
  func.func @transform_5(%arg0: i32) -> (i32, i32, i32) {
    %c0_i32 = arith.constant 0 : i32
    %c0_i32_0 = arith.constant 0 : i32
    %c0_i32_1 = arith.constant 0 : i32
    return %arg0, %c0_i32, %c0_i32_0 : i32, i32, i32
  }
}

module attributes {stable_mosaic.version = 14 : i64} {
  func.func @_phase2_body(%arg0: i32, %arg1: i32, %arg2: memref<1x1000x1xi32, #tpu.memory_space<vmem>>, %arg3: memref<1x1000x4xf32, #tpu.memory_space<vmem>>, %arg4: memref<1x1000x1xi32, #tpu.memory_space<vmem>>, %arg5: memref<1x1000x1xi32, #tpu.memory_space<vmem>>, %arg6: memref<1x1000x81xi32, #tpu.memory_space<vmem>>, %arg7: memref<1x1000x4x81xf32, #tpu.memory_space<vmem>>) attributes {dimension_semantics = [#tpu.dimension_semantics<arbitrary>, #tpu.dimension_semantics<arbitrary>], iteration_bounds = array<i64: 8, 5>, scalar_prefetch = 0 : i64, scratch_operands = 0 : i64, tpu.core_type = #tpu.core_type<tc>, window_params = [{transform_indices = @transform_0, window_bounds = array<i64: 1, 1000, 1>}, {transform_indices = @transform_1, window_bounds = array<i64: 1, 1000, 4>}, {transform_indices = @transform_2, window_bounds = array<i64: 1, 1000, 1>}, {transform_indices = @transform_3, window_bounds = array<i64: 1, 1000, 1>}, {transform_indices = @transform_4, window_bounds = array<i64: 1, 1000, 81>}, {transform_indices = @transform_5, window_bounds = array<i64: 1, 1000, 4, 81>}]} {
    %get3A = arith.constant 0 : index
    %get3A_0 = arith.constant 0 : index
    %get3A_1 = arith.constant 0 : index
    %get3A_2 = vector.load %arg2[%get3A, %get3A_0, %get3A_1] : memref<1x1000x1xi32, #tpu.memory_space<vmem>>, vector<1x1000x1xi32>
    %get3A_3 = vector.shape_cast %get3A_2 : vector<1x1000x1xi32> to vector<1000x1xi32>
    %get3A_4 = arith.constant 0 : index
    %get3A_5 = arith.constant 0 : index
    %get3A_6 = arith.constant 0 : index
    %get3A_7 = vector.load %arg3[%get3A_4, %get3A_5, %get3A_6] : memref<1x1000x4xf32, #tpu.memory_space<vmem>>, vector<1x1000x4xf32>
    %get3A_8 = vector.shape_cast %get3A_7 : vector<1x1000x4xf32> to vector<1000x4xf32>
    %get3A_9 = arith.constant 0 : index
    %get3A_10 = arith.constant 0 : index
    %get3A_11 = arith.constant 0 : index
    %get3A_12 = vector.load %arg4[%get3A_9, %get3A_10, %get3A_11] : memref<1x1000x1xi32, #tpu.memory_space<vmem>>, vector<1x1000x1xi32>
    %get3A_13 = vector.shape_cast %get3A_12 : vector<1x1000x1xi32> to vector<1000x1xi32>
    %ne3A = arith.constant 0 : i32
    %ne3A_14 = vector.broadcast %ne3A : i32 to vector<1000x1xi32>
    %ne3A_15 = arith.cmpi ne, %get3A_13, %ne3A_14 : vector<1000x1xi32>
    %get3A_16 = arith.constant 0 : index
    %get3A_17 = arith.constant 0 : index
    %get3A_18 = arith.constant 0 : index
    %get3A_19 = vector.load %arg5[%get3A_16, %get3A_17, %get3A_18] : memref<1x1000x1xi32, #tpu.memory_space<vmem>>, vector<1x1000x1xi32>
    %get3A_20 = vector.shape_cast %get3A_19 : vector<1x1000x1xi32> to vector<1000x1xi32>
    %ne3A_21 = arith.constant 0 : i32
    %ne3A_22 = vector.broadcast %ne3A_21 : i32 to vector<1000x1xi32>
    %ne3A_23 = arith.cmpi ne, %get3A_20, %ne3A_22 : vector<1000x1xi32>
    %jit3A = arith.constant -1 : i32
    %broadcast_in_dim3A = vector.broadcast %jit3A : i32 to vector<1000x1xi32>
    %select_n3A = arith.select %ne3A_15, %get3A_3, %broadcast_in_dim3A : vector<1000x1xi1>, vector<1000x1xi32>
    %convert_element_type3A = arith.extui %ne3A_23 : vector<1000x1xi1> to vector<1000x1xi32>
    %add3A = arith.addi %select_n3A, %convert_element_type3A : vector<1000x1xi32>
    %iota3A = tpu.iota {dimensions = array<i32: 1>} : vector<1000x81xi32>
    %eq3A = vector.broadcast %add3A : vector<1000x1xi32> to vector<1000x81xi32>
    %eq3A_24 = arith.cmpi eq, %iota3A, %eq3A : vector<1000x81xi32>
    %convert_element_type3A_25 = arith.extui %eq3A_24 : vector<1000x81xi1> to vector<1000x81xi32>
    %swap3A = arith.constant 0 : index
    %swap3A_26 = arith.constant 0 : index
    %swap3A_27 = arith.constant 0 : index
    %swap3A_28 = vector.load %arg6[%swap3A, %swap3A_26, %swap3A_27] : memref<1x1000x81xi32, #tpu.memory_space<vmem>>, vector<1x1000x81xi32>
    %swap3A_29 = vector.shape_cast %swap3A_28 : vector<1x1000x81xi32> to vector<1000x81xi32>
    %swap3A_30 = vector.shape_cast %convert_element_type3A_25 : vector<1000x81xi32> to vector<1x1000x81xi32>
    tpu.vector_store %arg6[%swap3A, %swap3A_26, %swap3A_27], %swap3A_30 {strides = array<i32>} : memref<1x1000x81xi32, #tpu.memory_space<vmem>>, vector<1x1000x81xi32>,
    %and3A = vector.broadcast %ne3A_15 : vector<1000x1xi1> to vector<1000x81xi1>
    %and3A_31 = arith.andi %eq3A_24, %and3A : vector<1000x81xi1>
    %broadcast_in_dim3A_32 = vector.shape_cast %and3A_31 : vector<1000x81xi1> to vector<1000x1x81xi1>
    %broadcast_in_dim3A_33 = vector.shape_cast %get3A_8 : vector<1000x4xf32> to vector<1000x4x1xf32>
    %jit3A_34 = arith.constant 0.000000e+00 : f32
    %broadcast_in_dim3A_35 = vector.shape_cast %broadcast_in_dim3A_32 : vector<1000x1x81xi1> to vector<1000x1x81xi1>
    %broadcast_in_dim3A_36 = vector.broadcast %broadcast_in_dim3A_35 : vector<1000x1x81xi1> to vector<1000x4x81xi1>
    %broadcast_in_dim3A_37 = vector.shape_cast %broadcast_in_dim3A_33 : vector<1000x4x1xf32> to vector<1000x4x1xf32>
    %broadcast_in_dim3A_38 = vector.broadcast %broadcast_in_dim3A_37 : vector<1000x4x1xf32> to vector<1000x4x81xf32>
    %broadcast_in_dim3A_39 = vector.broadcast %jit3A_34 : f32 to vector<1000x4x81xf32>
    %select_n3A_40 = arith.select %broadcast_in_dim3A_36, %broadcast_in_dim3A_38, %broadcast_in_dim3A_39 : vector<1000x4x81xi1>, vector<1000x4x81xf32>
    %swap3A_41 = arith.constant 0 : index
    %swap3A_42 = arith.constant 0 : index
    %swap3A_43 = arith.constant 0 : index
    %swap3A_44 = arith.constant 0 : index
    %swap3A_45 = vector.load %arg7[%swap3A_41, %swap3A_42, %swap3A_43, %swap3A_44] : memref<1x1000x4x81xf32, #tpu.memory_space<vmem>>, vector<1x1000x4x81xf32>
    %swap3A_46 = vector.shape_cast %swap3A_45 : vector<1x1000x4x81xf32> to vector<1000x4x81xf32>
    %swap3A_47 = vector.shape_cast %select_n3A_40 : vector<1000x4x81xf32> to vector<1x1000x4x81xf32>
    tpu.vector_store %arg7[%swap3A_41, %swap3A_42, %swap3A_43, %swap3A_44], %swap3A_47 {strides = array<i32>} : memref<1x1000x4x81xf32, #tpu.memory_space<vmem>>, vector<1x1000x4x81xf32>,
    return
  }
  func.func @transform_0(%arg0: i32, %arg1: i32) -> (i32, i32, i32) {
    %c0_i32 = arith.constant 0 : i32
    %c0_i32_0 = arith.constant 0 : i32
    return %arg0, %arg1, %c0_i32 : i32, i32, i32
  }
  func.func @transform_1(%arg0: i32, %arg1: i32) -> (i32, i32, i32) {
    %c0_i32 = arith.constant 0 : i32
    %c0_i32_0 = arith.constant 0 : i32
    return %arg0, %arg1, %c0_i32 : i32, i32, i32
  }
  func.func @transform_2(%arg0: i32, %arg1: i32) -> (i32, i32, i32) {
    %c0_i32 = arith.constant 0 : i32
    %c0_i32_0 = arith.constant 0 : i32
    return %arg0, %arg1, %c0_i32 : i32, i32, i32
  }
  func.func @transform_3(%arg0: i32, %arg1: i32) -> (i32, i32, i32) {
    %c0_i32 = arith.constant 0 : i32
    %c0_i32_0 = arith.constant 0 : i32
    return %arg0, %arg1, %c0_i32 : i32, i32, i32
  }
  func.func @transform_4(%arg0: i32, %arg1: i32) -> (i32, i32, i32) {
    %c0_i32 = arith.constant 0 : i32
    %c0_i32_0 = arith.constant 0 : i32
    return %arg0, %arg1, %c0_i32 : i32, i32, i32
  }
  func.func @transform_5(%arg0: i32, %arg1: i32) -> (i32, i32, i32, i32) {
    %c0_i32 = arith.constant 0 : i32
    %c0_i32_0 = arith.constant 0 : i32
    %c0_i32_1 = arith.constant 0 : i32
    return %arg0, %arg1, %c0_i32, %c0_i32_0 : i32, i32, i32, i32
  }
}

</mosaic_0001>

<sc_bundles>
// kernel: kernel.5.cloned.1.call-start
scs
__scs_entry_jumppad:
0x0: {  	(pc) =	sbr.rel $0x88, $3  }
0x1: {  	(tag) =	ssettag $0x0;
	lr =	simm.s32 $0x1  }
0x2: {  	[smem:$0x3F9E] =	sst lr;
	_ =	strace $0xD0000000  }
0x3: {  	_ = 	snop  }
0x4: {  	_ = 	snop  }
0x5: {  	_ = 	snop  }
0x6: {  	_ = 	snop  }
0x7: {  	_ = 	snop  }
__scs_overlays_trampoline_lowered:
0x8: {  	[smem:$0x3FAD] =	sst s0  }
0x9: {  	[smem:$0x3FAE] =	sst s1  }
0xa: {  	[smem:$0x3FAF] =	sst s2  }
0xb: {  	[smem:$0x3FB0] =	sst s3  }
0xc: {  	[smem:$0x3FB1] =	sst s4  }
0xd: {  	[smem:$0x3FB2] =	sst s5  }
0xe: {  	[smem:$0x3FB3] =	sst s6  }
0xf: {  	[smem:$0x3FB4] =	sst s7  }
0x10: {  	[smem:$0x3FB5] =	sst s8  }
0x11: {  	[smem:$0x3FB6] =	sst s9;
	s0 =	simm.s32 @!p0 $0x0  }
0x12: {  	s1 =	sld [smem:$0x3F9C];
	s0 =	simm.s32 @p0 $0x1  }
0x13: {  	[smem:$0x3FB7] =	sst s0;
	s0 =	simm.s32 @!p1 $0x0  }
0x14: {  	s2 =	sld [smem:$0x3F9B];
	s0 =	simm.s32 @p1 $0x1  }
0x15: {  	[smem:$0x3FB8] =	sst s0;
	s0 =	simm.s32 @!p2 $0x0  }
0x16: {  	s3 =	sld [smem:$0x3FDB];
	s0 =	simm.s32 @p2 $0x1  }
0x17: {  	s4 =	simm.s32 $0x1BF5;
	[smem:$0x3FBA] =	sst s0  }
0x18: {  	s0 =	sld [smem:$0x3F9D];
	_ =	swait.ge [sflag:s4], $0x0  }
0x19: {  	s7 =	sld [smem:$0x3F9E]  }
0x1a: {  	s8 =	sadd.s32 $0xFFFFE003, lr  }
0x1b: {  	s9 =	sadd.s32 $0xFFFFFEF7, lr;
	s5 =	simm.s32 $0xFFFFFFFF;
	p2 =	slt.u32 s8, $0xFFFFF086  }
0x1c: {  	p1 =	slt.u32 s9, $0xF7A;
	s5 =	simm.s32 @!p2 $0x0  }
0x1d: {  	s5 =	simm.s32 @p1 $0x1;
	p0 =	seq.s32 s7, s2  }
0x1e: {  	s7 =	smul.u32 @!p0 $0xF7A, s2;
	p2 =	seq.s32 @!p0 s5, $0x0  }
0x1f: {  	s9 =	smul.u32 $0xF7A, s1;
	s8 =	simm.s32 @!p0 $0x1BF5;
	p2 =	por !p2, p0  }
0x20: {  	[sflag:s8] =	ssyncset.s32 @!p0 $0xFFFFF086;
	s6 =	sadd.s32 @!p0 s3, s7;
	s7 =	simm.s32 @!p0 $0x108  }
0x21: {  	s3 =	sadd.s32 s3, s9;
	s6 =	sadd.s32 @!p0 $0x88, s6;
	s7 =	simm.s32 @p2 $0x1082  }
0x22: {  	[simem:s7], [sflag:s8] =	dma.local @!p0 [hbm:s6], $0xF7A  }
0x23: {  	s9 =	sor.u32 $0xD0000000, s2;
	s6 =	simm.s32 $0x108;
	_ =	swait.ge @!p0 [sflag:s8], $0x0  }
0x24: {  	s3 =	sadd.s32 $0x88, s3;
	s6 =	simm.s32 @!p1 $0x1082;
	[sflag:s4] =	ssyncset.s32 $0xFFFFF086  }
0x25: {  	[simem:s6], [sflag:s4] =	dma.local [hbm:s3], $0xF7A  }
0x26: {  	[smem:$0x3F9E] =	sst s1;
	(tag) =	ssettag s2;
	_ =	strace s9  }
0x27: {  	s1 =	sld [smem:$0x3FAE]  }
0x28: {  	s2 =	sld [smem:$0x3FAF]  }
0x29: {  	s4 =	sld [smem:$0x3FB1]  }
0x2a: {  	p0 =	seq.s32 s5, $0x0;
	s5 =	sld [smem:$0x3FB2]  }
0x2b: {  	s6 =	sld [smem:$0x3FB3]  }
0x2c: {  	s7 =	sld [smem:$0x3FB4]  }
0x2d: {  	s3 =	simm.s32 $0x108;
	s8 =	sld [smem:$0x3FB5]  }
0x2e: {  	s3 =	simm.s32 @!p0 $0x1082;
	s9 =	sld [smem:$0x3FB6]  }
0x2f: {  	lr =	sadd.s32 s0, s3;
	s0 =	sld [smem:$0x3FAD]  }
0x30: {  	s3 =	sld [smem:$0x3FB0]  }
0x31: {  	[smem:$0x3FB9] =	sst s10  }
0x32: {  	s10 =	sld [smem:$0x3FB7];
	_ =	sdelay $0x3  }
0x33: {  	p0 =	seq.s32 s10, $0x1;
	s10 =	sld [smem:$0x3FB9];
	_ =	sdelay $0x3  }
0x34: {  	[smem:$0x3FB9] =	sst s10  }
0x35: {  	s10 =	sld [smem:$0x3FB8];
	_ =	sdelay $0x3  }
0x36: {  	p1 =	seq.s32 s10, $0x1;
	s10 =	sld [smem:$0x3FB9];
	_ =	sdelay $0x3  }
0x37: {  	[smem:$0x3FB9] =	sst s10  }
0x38: {  	s10 =	sld [smem:$0x3FBA]  }
0x39: {  	_ = 	snop;
	(pc) =	sbr.ind lr, $3  }
0x3a: {  	_ = 	snop  }
0x3b: {  	_ = 	snop  }
0x3c: {  	p2 =	seq.s32 s10, $0x1;
	s10 =	sld [smem:$0x3FB9]  }
0x3d: {  	_ =	shalt  }
0x3e: {  	_ =	shalt  }
0x3f: {  	_ =	shalt  }
0x40: {  	_ =	shalt  }
0x41: {  	_ =	shalt  }
0x42: {  	_ =	shalt  }
0x43: {  	_ =	shalt  }
0x44: {  	_ =	shalt  }
0x45: {  	_ =	shalt  }
0x46: {  	_ =	shalt  }
0x47: {  	_ =	shalt  }
0x48: {  	_ =	shalt  }
0x49: {  	_ =	shalt  }
0x4a: {  	_ =	shalt  }
0x4b: {  	_ =	shalt  }
0x4c: {  	_ =	shalt  }
0x4d: {  	_ =	shalt  }
0x4e: {  	_ =	shalt  }
0x4f: {  	_ =	shalt  }
0x50: {  	_ =	shalt  }
0x51: {  	_ =	shalt  }
0x52: {  	_ =	shalt  }
0x53: {  	_ =	shalt  }
0x54: {  	_ =	shalt  }
0x55: {  	_ =	shalt  }
0x56: {  	_ =	shalt  }
0x57: {  	_ =	shalt  }
0x58: {  	_ =	shalt  }
0x59: {  	_ =	shalt  }
0x5a: {  	_ =	shalt  }
0x5b: {  	_ =	shalt  }
0x5c: {  	_ =	shalt  }
0x5d: {  	_ =	shalt  }
0x5e: {  	_ =	shalt  }
0x5f: {  	_ =	shalt  }
0x60: {  	_ =	shalt  }
0x61: {  	_ =	shalt  }
0x62: {  	_ =	shalt  }
0x63: {  	_ =	shalt  }
0x64: {  	_ =	shalt  }
0x65: {  	_ =	shalt  }
0x66: {  	_ =	shalt  }
0x67: {  	_ =	shalt  }
0x68: {  	_ =	shalt  }
0x69: {  	_ =	shalt  }
0x6a: {  	_ =	shalt  }
0x6b: {  	_ =	shalt  }
0x6c: {  	_ =	shalt  }
0x6d: {  	_ =	shalt  }
0x6e: {  	_ =	shalt  }
0x6f: {  	_ =	shalt  }
0x70: {  	_ =	shalt  }
0x71: {  	_ =	shalt  }
0x72: {  	_ =	shalt  }
0x73: {  	_ =	shalt  }
0x74: {  	_ =	shalt  }
0x75: {  	_ =	shalt  }
0x76: {  	_ =	shalt  }
0x77: {  	_ =	shalt  }
0x78: {  	_ =	shalt  }
0x79: {  	_ =	shalt  }
0x7a: {  	_ =	shalt  }
0x7b: {  	_ =	shalt  }
0x7c: {  	_ =	shalt  }
0x7d: {  	_ =	shalt  }
0x7e: {  	_ =	shalt  }
0x7f: {  	_ =	shalt  }
0x80: {  	_ =	shalt  }
0x81: {  	_ =	shalt  }
0x82: {  	_ =	shalt  }
0x83: {  	_ =	shalt  }
0x84: {  	_ =	shalt  }
0x85: {  	_ =	shalt  }
0x86: {  	_ =	shalt  }
0x87: {  	_ =	shalt  }
.Lfunc_end0:
.L_simem_size_0:
called_computation.1_lowered:
.L_overlay_start_0:
0x88: {  	s2 =	sld [smem:$0x3FD9]  }
0x89: {  	s3 =	sld [smem:$0x3FFE];
	_ =	sdelay $0x1  }
0x8a: {  	s1 =	srdreg.scid  }
0x8b: {  	s0 =	sand.u32 $0x1, s1  }
0x8c: {  	s14 =	sshll.u32 s0, $0xA;
	s2 =	sadd.s32 s3, s2  }
0x8d: {  	s2 =	sadd.s32 s2, s14  }
0x8e: {  	[smem:$0x3FC5] =	sst s2  }
0x8f: {  	_ = 	snop  }
0x90: {  	s2 =	sld [smem:$0x3FD0];
	_ =	sdelay $0x2  }
0x91: {  	s15 =	simm.s32 $0xA;
	s4 =	simm.s32 $0x10  }
0x92: {  	[smem:s4], [sflag:s15] =	dma.local [hbm:s2], $0x1  }
0x93: {  	_ =	swait.eq [sflag:s15], $0x1  }
0x94: {  	[sflag:s15] =	ssyncset.done $0x0  }
0x95: {  	[sflag:s15] =	ssyncadd.s32 $0xFFFFFFFF  }
0x96: {  	s16 =	sld [smem:$0x11];
	(tm) =	ssettm $0x1  }
0x97: {  	s17 =	sld [smem:$0x3FFB];
	_ =	sdelay $0x3  }
0x98: {  	_ =	strace s17  }
0x99: {  	s3 =	sld [smem:$0x3FFC];
	_ =	sdelay $0x3  }
0x9a: {  	_ =	strace s3  }
0x9b: {  	s3 =	sld [smem:$0x3FFD];
	_ =	sdelay $0x3  }
0x9c: {  	_ =	strace s3  }
0x9d: {  	_ =	strace $0x8FFFFFFF  }
0x9e: {  	s18 =	sld [smem:$0x3FDB];
	_ =	sdelay $0x1  }
0x9f: {  	s19 =	simm.s32 $_scs_section_size  }
0xa0: {  	s5 =	simm.s32 $_size__tile_overlayer_lowered;
	s6 =	simm.s32 $_tile_overlayer_lowered  }
0xa1: {  	s22 =	simm.s32 $0x1BFF;
	s21 =	sshll.u32 s6, $0x1;
	s3 =	sadd.s32 s19, s18  }
0xa2: {  	s7 =	simm.s32 $0x0;
	s20 =	sshll.u32 s5, $0x1;
	s5 =	sadd.s32 s21, s3  }
0xa3: {  	[timem:s7], [sflag:s22] =	dma.local [hbm:s5], s20  }
0xa4: {  	_ =	swait.ge [sflag:s22], s20  }
0xa5: {  	s4 =	ssub.s32 $0x0, s20;
	[sflag:s22] =	ssyncset.done $0x0  }
0xa6: {  	[sflag:s22] =	ssyncadd.s32 s4;
	_ =	sdelay $0x1  }
0xa7: {  	s23 =	simm.s32 $0x1B8B  }
0xa8: {  	_ =	swait.ge [sflag:s23], $0x1  }
0xa9: {  	[sflag:s23] =	ssyncset.done $0x0  }
0xaa: {  	s25 =	simm.s32 $0x1B8E;
	s24 =	sld [smem:$0x3FFE];
	[sflag:s23] =	ssyncadd.s32 $0xFFFFFFFF  }
0xab: {  	s26 =	simm.s32 $execute0_lowered;
	[smem:$0x3FD2] =	sst s25  }
0xac: {  	s5 =	sshll.u32 s26, $0x1;
	_ =	strace $0x80000046;
	[dreg:$0x1] =	wrdreg $0xFFFFFFFF  }
0xad: {  	s28 =	simm.s32 $_size_execute0_lowered;
	s3 =	sadd.s32 s3, s5;
	[dreg:$0x0] =	wrdreg $0x0  }
0xae: {  	s5 =	sshll.u32 s28, $0x1;
	[dreg:$0x2] =	wrdreg s3  }
0xaf: {  	[dreg:$0x3] =	wrdreg s5  }
0xb0: {  	[dreg:$0x4] =	wrdreg $0xC0  }
0xb1: {  	_ =	task [dreg:s7], $0x5FFFF  }
0xb2: {  	[dreg:$0x1] =	wrdreg $0xFFFFFFFF  }
0xb3: {  	[dreg:$0x0] =	wrdreg $0x60  }
0xb4: {  	[dreg:$0x2] =	wrdreg s24  }
0xb5: {  	[dreg:$0x3] =	wrdreg s16  }
0xb6: {  	[dreg:$0x4] =	wrdreg $0x9  }
0xb7: {  	_ =	task.clear_ibuf [dreg:s7], $0x5FFFF;
	_ =	strace $0x90000046  }
0xb8: {  	s29 =	simm.s32 $0x9;
	_ =	strace $0x80000048  }
0xb9: {  	_ =	swait.ge [sflag:s29], $0x1  }
0xba: {  	[sflag:s29] =	ssyncadd.s32 $0xFFFFFFFF  }
0xbb: {  	_ =	strace $0x90000048  }
0xbc: {  	_ =	sfence  }
0xbd: {  	s30 =	sld [smem:$0x0];
	_ =	sdelay $0x2  }
0xbe: {  	s31 =	sshll.u32 s1, $0xD;
	s1 =	sshrl.u32 s1, $0x2  }
0xbf: {  	s3 =	sand.u32 $0x4000, s31;
	s1 =	sadd.s32 s1, s30  }
0xc0: {  	s0 =	sor.u32 s3, s0;
	s1 =	sshll.u32 s1, $0x11  }
0xc1: {  	s0 =	sor.u32 s1, s0  }
0xc2: {  	s0 =	sadd.s32 $0x8F2B, s0  }
0xc3: {  	[sflag:s0] =	ssyncadd.remote.s32 $0x1  }
0xc4: {  	_ =	sfence.sel $0xFFFF  }
0xc5: {  	[dreg:$0x0] =	wrdreg $0xFFFFFFFF;
	(pc) =	sbr.abs _section_cstart, $3  }
0xc6: {  	[dreg:$0x1] =	wrdreg $0xFFFFFFFF  }
0xc7: {  	_ =	task.clear_ibuf [dreg:s7], $0x2FFFF;
	_ =	strace $0x9FFFFFFF  }
0xc8: {  	(tm) =	ssettm $0x7FFFFFFF  }
0xc9: {  	_ =	shalt  }
tec
execute0_lowered:
.L_overlay_start_1:
0x0: {  	(tag) =	ssettag $0x1  }
0x1: {  	s1 =	stileid.u32  }
0x2: {  	p0 =	sgt.u32 s1, $0x7  }
.Ltmp0:
0x3: {  	_ = 	snop;
	(pc) =	sbr.rel @p0 .LBB2_13-.Ltmp0, $4  }
0x4: {  	s4 =	rddreg [dreg:$0x0]  }
0x5: {  	s3 =	rddreg [dreg:$0x1];
	s2 =	simm.s32 $0x0  }
0x6: {  	[smem:$0x7FF] =	sst s2  }
0x7: {  	s0 =	rddreg [dreg:$0x2];
	_ =	strace $0x80000047  }
0x8: {  	v0 =	vimm.s32 $0xEFCDAB89  }
0x9: {  	v1 =	vimm.s32 $0x67452301;
	v5 =	vimm.s32 $0xDCFE98BA;
	v6 =	vimm.s32 $0xBA98FEDC  }
0xa: {  	v7 =	vimm.s32 $0x32107654;
	v2 =	vunpack.c.l.s4.s8 v0;
	v1 =	vunpack.c.l.s4.s8 v1  }
0xb: {  	v8 =	vimm.s32 $0xFEDCBA98;
	v9 =	vimm.s32 $0x76543210;
	v10 =	vimm.s32 $0xEDCBA987  }
0xc: {  	v11 =	vimm.s32 $0xDCBA9876;
	v3 =	vunpack.c.0.s8.s32 v2;
	v4 =	vunpack.c.0.s8.s32 v1  }
0xd: {  	v12 =	vimm.s32 $0xE40000;
	v13 =	vimm.s32 $0x32100000;
	v6 =	vunpack.c.l.s4.s8 v6  }
0xe: {  	v3 =	vcombine.low v4, v3;
	v4 =	vunpack.c.l.s4.s8 v5;
	v5 =	vimm.s32 $0x54761032  }
0xf: {  	vm0 =	vmmov $0x3;
	v7 =	vunpack.c.l.s4.s8 v7;
	v5 =	vunpack.c.l.s4.s8 v5  }
0x10: {  	vm2 =	vcmask $0x3F30;
	v8 =	vunpack.c.l.s4.s8 v8;
	v6 =	vunpack.c.0.s8.s32 v6  }
0x11: {  	s5 =	srdreg.scid;
	v7 =	vunpack.c.0.s8.s32 v7;
	v4 =	vunpack.c.0.s8.s32 v4;
	v5 =	vunpack.c.0.s8.s32 v5  }
0x12: {  	s5 =	sand.u32 $0x1, s5;
	v9 =	vunpack.c.l.s4.s8 v9;
	v12 =	vunpack.c.l.s2.s4 v12;
	v8 =	vunpack.c.0.s8.s32 v8  }
0x13: {  	s6 =	sxor.u32 $0x1, s5;
	v4 =	vcombine.low v5, v4;
	v5 =	vcombine.low v7, v6;
	v6 =	vunpack.c.l.s4.s8 v10  }
0x14: {  	v0 =	vmov s6;
	v7 =	vunpack.c.0.s8.s32 v9;
	v9 =	vimm.s32 $0x65432100  }
0x15: {  	v8 =	vand.u32 $0xF, v8;
	v9 =	vunpack.c.l.s4.s8 v9;
	v10 =	vunpack.c.0.s8.s32 v6  }
0x16: {  	v6 =	vcombine.low v8, v7;
	v7 =	vimm.s32 $0x54321000;
	v8 =	vunpack.c.l.s4.s8 v11  }
0x17: {  	v9 =	vunpack.c.0.s8.s32 v9;
	v11 =	vunpack.c.l.s4.s8 v7;
	v7 =	vimm.s32 $0xBA987654  }
0x18: {  	s8 =	smul.u32 $0x155, s5;
	v10 =	vand.u32 $0xF, v10;
	v8 =	vunpack.c.0.s8.s32 v8;
	v14 =	vunpack.c.l.s4.s8 v7  }
0x19: {  	s26 =	sshll.u32 s1, $0x7;
	s28 =	sadd.s32 $0x1800, s4;
	s25 =	smul.u32 $0xA000, s5;
	v12 =	vunpack.c.l.s4.s8 v12;
	v7 =	vcombine.low v9, v10;
	v9 =	vunpack.c.0.s8.s32 v11  }
0x1a: {  	s31 =	sshll.u32 s1, $0x4;
	s9 =	simm.s32 $0x1;
	s7 =	smul.u32 $0xAA, s6;
	v10 =	vunpack.c.l.s4.s8 v13;
	v11 =	vand.u32 $0xF, v8;
	v13 =	vunpack.c.0.s8.s32 v14  }
0x1b: {  	s10 =	simm.s32 $0x1400;
	s11 =	simm.s32 $0x3C00;
	v1 =	vmov s5;
	s6 =	sor.u32 s26, s25;
	v12 =	vunpack.c.0.s8.s32 v12;
	v9 =	vcombine.low v9, v11  }
0x1c: {  	s5 =	ssub.s32 $0x2, s5;
	s7 =	sadd.s32 s8, s7;
	s6 =	sshrl.u32 s6, $0x3;
	v10 =	vunpack.c.0.s8.s32 v10;
	v11 =	vand.u32 $0xF, v13;
	v13 =	vimm.s32 $0x7060504  }
0x1d: {  	vm1 =	vmmov $0xf;
	s30 =	sshrl.u32 s5, $0x1;
	s8 =	simm.s32 $0x400;
	v2 =	vmov s7;
	s29 =	sadd.s32 s6, s4;
	v13 =	vunpack.c.0.s8.s32 v13  }
0x1e: {  	s3 =	sadd.s32 s3, s6;
	s6 =	ssub.s32 s5, s30;
	s5 =	sadd.s32 s28, s31;
	v12 =	vand.u32 $0x3, v12;
	v8 =	vimm.s32 $0x0;
	v10 =	vcombine.low v10, v11  }
0x1f: {  	s7 =	simm.s32 $0x80;
	s4 =	sadd.s32 $0x2C00, s29;
	s6 =	smax.u32 s6, $0x1;
	v11 =	vlaneseq.u32;
	v12 =	vsel vm2, v13, v12;
	vm2 =	vmmov $0xff  }
.LBB2_2:
0x20: {  	s12 =	simm.s32 $0x0  }
0x21: {  	[tilespmem:s12], [sflag:$0x1] =	stream.strided.gather [hbm4b:s5+s7], $0x1400, s8, s7, $0x38;
	[tilespmem:$0x5000] =	vst v63  }
0x22: {  	_ =	swait.ge [sflag:s9], $0x1400  }
0x23: {  	[sflag:s9] =	ssyncset.done $0x0  }
0x24: {  	[sflag:s9] =	ssyncadd.s32 $0xFFFFEC00  }
0x25: {  	[tilespmem:s10], [sflag:$0x1] =	stream.strided.gather [hbm4b:s3+s7], $0x1400, s8, s7, $0x38;
	[tilespmem:$0x5000] =	vst v63  }
0x26: {  	_ =	swait.ge [sflag:s9], $0x1400  }
0x27: {  	[sflag:s9] =	ssyncset.done $0x0  }
0x28: {  	s13 =	simm.s32 $0x0;
	[sflag:s9] =	ssyncadd.s32 $0xFFFFEC00  }
0x29: {  	v13 =	vld [tilespmem:s13+$0x0];
	_ =	sdelay $0x3  }
0x2a: {  	v14 =	vld [tilespmem:s13+$0x1400]  }
0x2b: {  	s14 =	simm.s32 $0x10;
	vm3 =	vlt.f32 v13, $5.000000000e-01;
	vm4 =	vge.f32 v13, $0.0e+00  }
0x2c: {  	vm5 =	vgt.f32 v13, $5.000000000e-01;
	v13 =	vld [tilespmem:s14+$0x0];
	vm3 =	vmand vm3, vm4  }
0x2d: {  	v15 =	vnsel vm5, $0x0, v0;
	v16 =	vnsel vm3, $0x0, v1  }
0x2e: {  	v15 =	vadd.s32 v15, v16  }
0x2f: {  	v15 =	vmul.u32 v14, v15  }
0x30: {  	s15 =	simm.s32 $0x80;
	v14 =	vld [tilespmem:s14+$0x1400]  }
.LBB2_3:
0x31: {  	s16 =	sshra.s32 s15, $0x2;
	p0 =	sne.s32 s15, $0x4E00;
	s15 =	sadd.s32 $0x40, s15;
	vm3 =	vlt.f32 v13, $5.000000000e-01;
	vm4 =	vge.f32 v13, $0.0e+00;
	[tilespmem:s13+$0x2800] =	vst v15  }
.Ltmp1:
0x32: {  	vm5 =	vgt.f32 v13, $5.000000000e-01;
	s13 =	smov.u32 s14;
	v13 =	vld [tilespmem:s16+$0x0];
	vm3 =	vmand vm3, vm4;
	s14 =	smov.u32 s16;
	(pc) =	sbr.rel @p0 .LBB2_3-.Ltmp1, $4  }
0x33: {  	v15 =	vnsel vm5, $0x0, v0;
	v16 =	vnsel vm3, $0x0, v1  }
0x34: {  	v15 =	vadd.s32 v15, v16  }
0x35: {  	v15 =	vmul.u32 v14, v15  }
0x36: {  	v14 =	vld [tilespmem:s14+$0x1400]  }
0x37: {  	vm3 =	vlt.f32 v13, $5.000000000e-01;
	vm4 =	vge.f32 v13, $0.0e+00  }
0x38: {  	vm5 =	vgt.f32 v13, $5.000000000e-01;
	vm3 =	vmand vm3, vm4  }
0x39: {  	v13 =	vnsel vm5, $0x0, v0;
	v16 =	vnsel vm3, $0x0, v1  }
0x3a: {  	v13 =	vadd.s32 v13, v16  }
0x3b: {  	v13 =	vmul.u32 v14, v13  }
0x3c: {  	[tilespmem:s13+$0x2800] =	vst v15  }
0x3d: {  	v14 =	vimm.s32 $0x1000;
	[tilespmem:s14+$0x2800] =	vst v13;
	v13 =	vimm.s32 $0x0  }
.LBB2_5:
0x3e: {  	s14 =	simm.s32 $0x0  }
0x3f: {  	v15 =	vadd.s32 v13, v14;
	v17 =	vld [tilespmem:s14+$0x2800]  }
0x40: {  	s13 =	simm.s32 $0x40;
	v16 =	vimm.s32 $0x0;
	v15 =	vshra.s32 v15, $0x1  }
.LBB2_6:
0x41: {  	p0 =	sne.s32 s13, $0x4E00  }
.Ltmp2:
0x42: {  	_ = 	snop;
	(pc) =	sbr.rel @p0 .LBB2_6-.Ltmp2, $4  }
0x43: {  	_ = 	snop  }
0x44: {  	s14 =	sshra.s32 s13, $0x2;
	s13 =	sadd.s32 $0x40, s13;
	vm3 =	vge.s32 v17, v15  }
0x45: {  	v17 =	vld [tilespmem:s14+$0x2800];
	v18 =	vsel vm3, $0x1, v8  }
0x46: {  	v16 =	vadd.s32 v18, v16  }
0x47: {  	_ =	sdelay $0x2  }
0x48: {  	vm3 =	vge.s32 v17, v15  }
0x49: {  	v17 =	vsel vm3, $0x1, v8  }
0x4a: {  	v16 =	vadd.s32 v17, v16  }
0x4b: {  	v17 =	vperm.xlane v16, v3;
	_ =	sdelay $0x1  }
0x4c: {  	v16 =	vadd.s32 v16, v17  }
0x4d: {  	v17 =	vperm.xlane v16, v4;
	_ =	sdelay $0x1  }
0x4e: {  	v16 =	vadd.s32 v17, v16  }
0x4f: {  	v17 =	vperm.xlane v16, v5  }
0x50: {  	s12 =	sadd.s32 $0x1, s12  }
0x51: {  	p0 =	sne.s32 s12, $0xC;
	v16 =	vadd.s32 v17, v16  }
.Ltmp3:
0x52: {  	v17 =	vperm.xlane v16, v6;
	(pc) =	sbr.rel @p0 .LBB2_5-.Ltmp3, $4  }
0x53: {  	_ = 	snop  }
0x54: {  	v16 =	vadd.s32 v17, v16  }
0x55: {  	vm3 =	vlt.s32 v16, v2  }
0x56: {  	v13 =	vsel vm3, v13, v15;
	v14 =	vsel vm3, v15, v14  }
0x57: {  	s13 =	simm.s32 $0x0  }
0x58: {  	v15 =	vld [tilespmem:s13+$0x2800]  }
0x59: {  	v14 =	vimm.s32 $0x0;
	s12 =	simm.s32 $0x40  }
.LBB2_9:
0x5a: {  	p0 =	sne.s32 s12, $0x4E00  }
.Ltmp4:
0x5b: {  	_ = 	snop;
	(pc) =	sbr.rel @p0 .LBB2_9-.Ltmp4, $4  }
0x5c: {  	_ = 	snop  }
0x5d: {  	s13 =	sshra.s32 s12, $0x2;
	s12 =	sadd.s32 $0x40, s12;
	vm3 =	vgt.s32 v15, v13  }
0x5e: {  	v15 =	vld [tilespmem:s13+$0x2800];
	v16 =	vsel vm3, $0x1, v8  }
0x5f: {  	v14 =	vadd.s32 v16, v14  }
0x60: {  	_ =	sdelay $0x2  }
0x61: {  	s12 =	simm.s32 $0x0;
	vm3 =	vgt.s32 v15, v13  }
0x62: {  	v20 =	vld [tilespmem:s12+$0x2800];
	v15 =	vsel vm3, $0x1, v8  }
0x63: {  	v14 =	vadd.s32 v15, v14  }
0x64: {  	v15 =	vperm.xlane v14, v3;
	_ =	sdelay $0x1  }
0x65: {  	v14 =	vadd.s32 v14, v15  }
0x66: {  	vm4 =	veq.s32 v20, v13;
	v15 =	vperm.xlane v14, v4  }
0x67: {  	v21 =	vsel vm4, $0x1, v8  }
0x68: {  	v14 =	vadd.s32 v15, v14;
	v15 =	vperm.xlane v21, v7  }
0x69: {  	vm3 =	veq.s32 v11, $0x0;
	v16 =	vperm.xlane v14, v5  }
0x6a: {  	v17 =	vsel vm3, $0x0, v15  }
0x6b: {  	s13 =	simm.s32 $0x10;
	v14 =	vadd.s32 v16, v14;
	v16 =	vadd.s32 v21, v17  }
0x6c: {  	v15 =	vld [tilespmem:s13+$0x2800];
	v17 =	vperm.xlane v14, v6;
	v18 =	vperm.xlane v16, v9;
	_ =	sdelay $0x1  }
0x6d: {  	v14 =	vadd.s32 v14, v17;
	v17 =	vsel vm0, $0x0, v18  }
0x6e: {  	vm7 =	vgt.s32 v20, v13;
	v23 =	vperm.xlane v21, v3;
	v16 =	vadd.s32 v17, v16  }
0x6f: {  	vm9 =	vgt.s32 v20, $0x0;
	vm4 =	vmmov vm4;
	v22 =	vperm.xlane v16, v10  }
0x70: {  	vm7 =	vmmov vm7;
	v21 =	vadd.s32 v21, v23;
	vm6 =	veq.s32 v15, v13  }
0x71: {  	v23 =	vperm.xlane v21, v4;
	v18 =	vsel vm6, $0x1, v8;
	v22 =	vsel vm1, $0x0, v22  }
0x72: {  	s14 =	simm.s32 $0x20;
	vm8 =	vmmov vm4;
	v24 =	vperm.xlane v18, v7;
	v22 =	vadd.s32 v22, v16  }
0x73: {  	v21 =	vadd.s32 v23, v21;
	v14 =	vsub.s32 v2, v14;
	v16 =	vld [tilespmem:s14+$0x2800];
	v25 =	vperm.xlane v22, v12  }
0x74: {  	v17 =	vimm.s32 $0x0;
	vm5 =	vgt.s32 v15, v13;
	v24 =	vsel vm3, $0x0, v24  }
0x75: {  	v26 =	vperm.xlane v21, v5;
	v20 =	vadd.s32 v18, v24;
	v24 =	vsel vm2, $0x0, v25  }
0x76: {  	vm4 =	vmmov vm6;
	v25 =	vperm.xlane v20, v9;
	v24 =	vadd.s32 v17, v24  }
0x77: {  	v19 =	vperm.xlane v18, v3;
	v22 =	vadd.s32 v22, v24;
	v24 =	vsel vm7, $0x1, v8  }
0x78: {  	vm6 =	veq.s32 v16, v13;
	v23 =	vsel vm0, $0x0, v25;
	vm7 =	vle.s32 v22, v14  }
0x79: {  	v22 =	vsel vm6, $0x1, v8;
	v23 =	vadd.s32 v23, v20;
	vm7 =	vmand vm8, vm7  }
0x7a: {  	v20 =	vperm.xlane v22, v7;
	v27 =	vperm.xlane v23, v10;
	v28 =	vsel vm7, $0x1, v8  }
0x7b: {  	v21 =	vadd.s32 v26, v21;
	v25 =	vperm.xlane v22, v3;
	v28 =	vadd.s32 v24, v28  }
0x7c: {  	s15 =	simm.s32 $0xC0;
	v24 =	vsel vm3, $0x0, v20;
	v26 =	vsel vm1, $0x0, v27;
	v20 =	vnsel vm9, $0x0, v28  }
.LBB2_11:
0x7d: {  	v23 =	vadd.s32 v26, v23;
	v26 =	vperm.xlane v21, v6;
	vm9 =	vmmov vm5  }
0x7e: {  	s16 =	sshra.s32 s15, $0x2;
	p0 =	sne.s32 s15, $0x4E00;
	s15 =	sadd.s32 $0x40, s15;
	vm5 =	vgt.s32 v16, v13;
	vm8 =	vmmov vm4;
	vm4 =	vmmov vm6  }
0x7f: {  	v29 =	vadd.s32 v18, v19;
	v18 =	vmovc v22;
	v19 =	vmov v25;
	v27 =	vld [tilespmem:s16+$0x2800];
	v28 =	vperm.xlane v23, v12  }
0x80: {  	vm7 =	vgt.s32 v15, $0x0;
	v15 =	vmovc v16;
	v22 =	vperm.xlane v29, v4;
	[tilespmem:s12+$0x3C00] =	vst v20;
	v17 =	vadd.s32 v17, v26;
	s12 =	smov.u32 s13;
	s13 =	smov.u32 s14;
	s14 =	smov.u32 s16  }
0x81: {  	v20 =	vadd.s32 v18, v24;
	v16 =	vsel vm2, $0x0, v28;
	v17 =	vadd.s32 v21, v17  }
0x82: {  	v21 =	vperm.xlane v20, v9;
	v24 =	vadd.s32 v22, v29;
	v25 =	vadd.s32 v17, v16  }
0x83: {  	v26 =	vsel vm9, $0x1, v8;
	v28 =	vperm.xlane v24, v5;
	v22 =	vadd.s32 v23, v25  }
.Ltmp5:
0x84: {  	v21 =	vsel vm0, $0x0, v21;
	vm6 =	veq.s32 v27, v13;
	vm9 =	vle.s32 v22, v14;
	v16 =	vmovc v27;
	(pc) =	sbr.rel @p0 .LBB2_11-.Ltmp5, $4  }
0x85: {  	v23 =	vadd.s32 v21, v20;
	v22 =	vsel vm6, $0x1, v8;
	vm8 =	vmand vm8, vm9  }
0x86: {  	v27 =	vperm.xlane v23, v10;
	v20 =	vperm.xlane v22, v7;
	v21 =	vsel vm8, $0x1, v8  }
0x87: {  	v25 =	vperm.xlane v22, v3;
	v29 =	vadd.s32 v26, v21;
	v21 =	vadd.s32 v28, v24  }
0x88: {  	v26 =	vsel vm1, $0x0, v27;
	v24 =	vsel vm3, $0x0, v20;
	v20 =	vnsel vm7, $0x0, v29  }
0x89: {  	v22 =	vadd.s32 v22, v24  }
0x8a: {  	v18 =	vadd.s32 v18, v19;
	v56 =	vperm.xlane v22, v9  }
0x8b: {  	v57 =	vperm.xlane v18, v4  }
0x8c: {  	v19 =	vsel vm0, $0x0, v56  }
0x8d: {  	v18 =	vadd.s32 v57, v18;
	v19 =	vadd.s32 v19, v22  }
0x8e: {  	vm3 =	vgt.s32 v16, v13;
	v13 =	vperm.xlane v18, v5;
	v22 =	vperm.xlane v19, v10  }
0x8f: {  	v23 =	vadd.s32 v26, v23;
	v58 =	vperm.xlane v21, v6;
	vm5 =	vmmov vm5  }
0x90: {  	v25 =	vperm.xlane v23, v12;
	v13 =	vadd.s32 v13, v18;
	v59 =	vsel vm1, $0x0, v22  }
0x91: {  	v17 =	vadd.s32 v17, v58;
	v60 =	vperm.xlane v13, v6;
	v18 =	vadd.s32 v59, v19  }
0x92: {  	vm4 =	vmmov vm4;
	v17 =	vadd.s32 v21, v17;
	v61 =	vperm.xlane v18, v12  }
0x93: {  	vm6 =	vmmov vm6;
	v62 =	vsel vm2, $0x0, v25;
	v19 =	vadd.s32 v17, v60  }
0x94: {  	v17 =	vadd.s32 v17, v62;
	v13 =	vadd.s32 v13, v19;
	v21 =	vsel vm2, $0x0, v61  }
0x95: {  	vm7 =	vgt.s32 v15, $0x0;
	v15 =	vadd.s32 v23, v17;
	v13 =	vadd.s32 v13, v21  }
0x96: {  	v63 =	vsel vm5, $0x1, v8;
	vm12 =	vle.s32 v15, v14;
	v13 =	vadd.s32 v18, v13  }
0x97: {  	vm13 =	vmmov vm6;
	vm4 =	vmand vm4, vm12;
	vm14 =	vle.s32 v13, v14  }
0x98: {  	vm3 =	vmmov vm3;
	v13 =	vsel vm4, $0x1, v8;
	vm15 =	vmand vm13, vm14  }
0x99: {  	v14 =	vsel vm3, $0x1, v8;
	v13 =	vadd.s32 v63, v13;
	v15 =	vsel vm15, $0x1, v8  }
0x9a: {  	[tilespmem:s12+$0x3C00] =	vst v20;
	s2 =	sadd.s32 $0x1, s2;
	vm3 =	vgt.s32 v16, $0x0;
	v13 =	vnsel vm7, $0x0, v13;
	v14 =	vadd.s32 v14, v15  }
0x9b: {  	p0 =	sne.s32 s2, s6;
	[tilespmem:s13+$0x3C00] =	vst v13;
	v13 =	vnsel vm3, $0x0, v14  }
.Ltmp6:
0x9c: {  	[tilespmem:s14+$0x3C00] =	vst v13;
	(pc) =	sbr.rel @p0 .LBB2_2-.Ltmp6, $4  }
0x9d: {  	[hbm4b:s4+s7] =	stream.strided.scatter [tilespmem:s11], [sflag:$0x1], $0x1400, s8, s7, $0x38;
	[tilespmem:$0x5000] =	vst v63  }
0x9e: {  	_ =	swait.ge [sflag:s9], $0x1400  }
0x9f: {  	[sflag:s9] =	ssyncset.done $0x0  }
0xa0: {  	[sflag:s9] =	ssyncadd.s32 $0xFFFFEC00  }
.LBB2_13:
0xa1: {  	_ =	sfence.sel $0x180000  }
0xa2: {  	[bflag:$0x0] =	sbarrier.arrive $0xFFFF  }
0xa3: {  	p0 =	sne.s32 s1, $0x0;
	_ =	strace $0x90000047  }
0xa4: {  	s0 =	sadd.s32 @!p0 $0x100000, s0;
	[bflag:$0x2] =	sbarrier.arrive $0xFFFF  }
0xa5: {  	[sflag:s0] =	ssyncadd.tile.s32 @!p0 $0x1;
	_ =	shalt  }
.Lfunc_end2:
_tile_overlayer_lowered:
.L_overlay_start_2:
0xa6: {  	(tag) =	ssettag $0x2  }
0xa7: {  	s0 =	rddreg [dreg:$0x0];
	s2 =	stileid.u32  }
0xa8: {  	s1 =	rddreg [dreg:$0x1];
	p0 =	sne.s32 s2, $0x0  }
0xa9: {  	s3 =	rddreg [dreg:$0x2];
	[bflag:$0x3] =	sbarrier.arrive $0xFFFF;
	s2 =	simm.s32 @!p0 $0x1C01  }
0xaa: {  	[timem:s3], [sflag:s2] =	dma.local @!p0 [hbm:s0], s1  }
0xab: {  	s0 =	simm.s32 @!p0 $0x1  }
0xac: {  	_ =	swait.ge @!p0 [sflag:s0], s1  }
0xad: {  	s1 =	ssub.s32 @!p0 $0x0, s1;
	[sflag:s0] =	ssyncset.done @!p0 $0x0  }
0xae: {  	[sflag:s0] =	ssyncadd.s32 @!p0 s1  }
0xaf: {  	[bflag:$0x3] =	sbarrier.arrive $0xFFFF  }
0xb0: {  	_ =	shalt  }

// kernel: sparse-core-data-format-call.cloned.1.call-start
scs
called_computation_lowered:
.L_overlay_start_0:
0x0: {  	s1 =	sld [smem:$0x3FD9]  }
0x1: {  	s2 =	sld [smem:$0x3FFE];
	_ =	sdelay $0x1  }
0x2: {  	s3 =	srdreg.scid  }
0x3: {  	s0 =	sand.u32 $0x1, s3  }
0x4: {  	s17 =	sshll.u32 s0, $0xA;
	s1 =	sadd.s32 s2, s1  }
0x5: {  	s1 =	sadd.s32 s1, s17  }
0x6: {  	[smem:$0x3FC5] =	sst s1  }
0x7: {  	_ = 	snop  }
0x8: {  	(tm) =	ssettm $0x1  }
0x9: {  	s18 =	sld [smem:$0x3FFB];
	_ =	sdelay $0x3  }
0xa: {  	_ =	strace s18  }
0xb: {  	s1 =	sld [smem:$0x3FFC];
	_ =	sdelay $0x3  }
0xc: {  	_ =	strace s1  }
0xd: {  	s1 =	sld [smem:$0x3FFD];
	_ =	sdelay $0x3  }
0xe: {  	_ =	strace s1  }
0xf: {  	_ =	strace $0x8FFFFFFF  }
0x10: {  	s19 =	sld [smem:$0x3FDB];
	_ =	sdelay $0x1  }
0x11: {  	s20 =	simm.s32 $_scs_section_size  }
0x12: {  	s4 =	simm.s32 $_size__tile_overlayer_lowered;
	s5 =	simm.s32 $_tile_overlayer_lowered  }
0x13: {  	s23 =	simm.s32 $0x1BFF;
	s22 =	sshll.u32 s5, $0x1;
	s1 =	sadd.s32 s20, s19  }
0x14: {  	s6 =	simm.s32 $0x0;
	s21 =	sshll.u32 s4, $0x1;
	s4 =	sadd.s32 s22, s1  }
0x15: {  	[timem:s6], [sflag:s23] =	dma.local [hbm:s4], s21  }
0x16: {  	_ =	swait.ge [sflag:s23], s21  }
0x17: {  	s2 =	ssub.s32 $0x0, s21;
	[sflag:s23] =	ssyncset.done $0x0  }
0x18: {  	[sflag:s23] =	ssyncadd.s32 s2;
	_ =	sdelay $0x1  }
0x19: {  	s24 =	simm.s32 $0x1B8B  }
0x1a: {  	_ =	swait.ge [sflag:s24], $0x1  }
0x1b: {  	[sflag:s24] =	ssyncset.done $0x0  }
0x1c: {  	s26 =	simm.s32 $0x1B8E;
	s25 =	sld [smem:$0x3FFE];
	[sflag:s24] =	ssyncadd.s32 $0xFFFFFFFF  }
0x1d: {  	s27 =	simm.s32 $execute0_lowered;
	[smem:$0x3FD2] =	sst s26  }
0x1e: {  	s4 =	sshll.u32 s27, $0x1;
	_ =	strace $0x80000049;
	[dreg:$0x1] =	wrdreg $0xFFFFFFFF  }
0x1f: {  	s28 =	simm.s32 $_size_execute0_lowered;
	s1 =	sadd.s32 s1, s4;
	[dreg:$0x0] =	wrdreg $0x0  }
0x20: {  	s4 =	sshll.u32 s28, $0x1;
	[dreg:$0x2] =	wrdreg s1  }
0x21: {  	[dreg:$0x3] =	wrdreg s4  }
0x22: {  	[dreg:$0x4] =	wrdreg $0xC0  }
0x23: {  	_ =	task [dreg:s6], $0x5FFFF  }
0x24: {  	[dreg:$0x1] =	wrdreg $0xFFFFFFFF  }
0x25: {  	[dreg:$0x0] =	wrdreg $0x60  }
0x26: {  	[dreg:$0x2] =	wrdreg s25  }
0x27: {  	[dreg:$0x3] =	wrdreg $0x9  }
0x28: {  	_ =	task.clear_ibuf [dreg:s6], $0x4FFFF;
	_ =	strace $0x90000049  }
0x29: {  	s29 =	simm.s32 $0x9;
	_ =	strace $0x8000004B  }
0x2a: {  	_ =	swait.ge [sflag:s29], $0x1  }
0x2b: {  	[sflag:s29] =	ssyncadd.s32 $0xFFFFFFFF  }
0x2c: {  	_ =	strace $0x9000004B  }
0x2d: {  	_ =	sfence  }
0x2e: {  	s30 =	sld [smem:$0x0];
	_ =	sdelay $0x2  }
0x2f: {  	s31 =	sshll.u32 s3, $0xD;
	s3 =	sshrl.u32 s3, $0x2  }
0x30: {  	s2 =	sand.u32 $0x4000, s31;
	s1 =	sadd.s32 s3, s30  }
0x31: {  	s0 =	sor.u32 s2, s0;
	s1 =	sshll.u32 s1, $0x11  }
0x32: {  	s0 =	sor.u32 s1, s0  }
0x33: {  	s0 =	sadd.s32 $0x8F2B, s0  }
0x34: {  	[sflag:s0] =	ssyncadd.remote.s32 $0x1  }
0x35: {  	_ =	sfence.sel $0xFFFF  }
0x36: {  	[dreg:$0x0] =	wrdreg $0xFFFFFFFF;
	(pc) =	sbr.abs _section_cstart, $3  }
0x37: {  	[dreg:$0x1] =	wrdreg $0xFFFFFFFF  }
0x38: {  	_ =	task.clear_ibuf [dreg:s6], $0x2FFFF;
	_ =	strace $0x9FFFFFFF  }
0x39: {  	(tm) =	ssettm $0x7FFFFFFF  }
tec
execute0_lowered:
.L_overlay_start_1:
0x0: {  	(tag) =	ssettag $0x1  }
0x1: {  	s0 =	stileid.u32  }
0x2: {  	s1 =	srdreg.scid;
	s7 =	rddreg [dreg:$0x0]  }
0x3: {  	s31 =	simm.s32 $0x2;
	s15 =	simm.s32 $0x0;
	s9 =	simm.s32 $0x400  }
0x4: {  	s10 =	simm.s32 $0x9C400;
	s2 =	sshll.u32 s0, $0x2;
	s1 =	sshll.u32 s1, $0x6  }
0x5: {  	s11 =	simm.s32 $0x0;
	s16 =	simm.s32 $0x0;
	s3 =	sor.u32 s2, s1  }
0x6: {  	s14 =	simm.s32 $0x0;
	s1 =	sand.u32 $0x4, s2;
	s2 =	sand.u32 $0x78, s3  }
0x7: {  	s30 =	ssub.s32 $0x8, s1;
	s13 =	smov.u32 s1;
	s4 =	ssub.s32 $0x1388, s2  }
0x8: {  	s5 =	sshrl.u32 s30, $0x3;
	s3 =	sshrl.u32 s30, $0x2;
	s6 =	sand.u32 $0x78, s4  }
0x9: {  	s8 =	sand.u32 $0x1, s3;
	p0 =	sne.s32 s6, $0x0;
	s6 =	simm.s32 $0x1  }
.Ltmp0:
0xa: {  	s4 =	sshrl.u32 s4, $0x7;
	s6 =	simm.s32 @!p0 $0x0;
	(pc) =	sbr.rel .LBB1_1-.Ltmp0, $4  }
0xb: {  	s3 =	rddreg [dreg:$0x1];
	s5 =	sadd.s32 s5, s8;
	s6 =	sadd.s32 s6, s4  }
0xc: {  	_ =	strace $0x8000004A;
	s4 =	simm.s32 $0x1;
	s5 =	smul.u32 s5, s6  }
0xd: {  	s12 =	smov.u32 s2;
	s6 =	sadd.s32 $0x1DA000, s7;
	[sflag:s4] =	ssyncpa.u1 $0x0  }
0xe: {  	s7 =	sadd.s32 $0x44B000, s7;
	[sflag:s31] =	ssyncpa.u1 $0x0;
	s8 =	sadd.s32 $0x1, s5  }
.LBB1_9:
0xf: {  	s17 =	sadd.s32 $0x80, s12  }
0x10: {  	s15 =	sadd.s32 $0x8, s13;
	s19 =	smov.u32 s13;
	p1 =	sgt.s32 s17, $0x1387  }
0x11: {  	s19 =	smov.u32 @p1 s15  }
0x12: {  	s17 =	smov.u32 @p1 s2;
	p1 =	sgt.s32 s19, $0x7  }
0x13: {  	s19 =	smov.u32 @p1 s1;
	p1 =	sne.s32 s14, s8  }
.Ltmp1:
0x14: {  	p0 =	slt.u32 s14, $0x2;
	(pc) =	sbr.rel @!p1 .LBB1_10-.Ltmp1, $4  }
0x15: {  	s18 =	simm.s32 @!p0 $0x2  }
0x16: {  	s16 =	smov.u32 s13;
	s11 =	sadd.s32 $0x4000, s11;
	_ =	swait.ge @!p0 [sflag:s18], $0x4000  }
0x17: {  	s15 =	smov.u32 s12;
	[sflag:s18] =	ssyncset.done @!p0 $0x0;
	s12 =	smov.u32 s17  }
0x18: {  	s14 =	sadd.s32 $0x1, s14;
	[sflag:s18] =	ssyncadd.s32 @!p0 $0xFFFFC000;
	s13 =	smov.u32 s19  }
.LBB1_1:
0x19: {  	p0 =	sge.u32 s14, s5  }
0x1a: {  	s18 =	smul.u32 @!p0 $0x4E200, s13  }
0x1b: {  	s31 =	sadd.s32 $0xFFFFFFFF, s14;
	s17 =	sxor.u32 @!p0 $0xFFFFFFFF, s14;
	s19 =	sshll.u32 @!p0 s12, $0x6  }
0x1c: {  	s20 =	simm.s32 @!p0 $0x271000;
	s17 =	sshll.u32 @!p0 s17, $0xE;
	s18 =	sadd.s32 @!p0 s6, s18  }
0x1d: {  	s17 =	sand.u32 @!p0 $0x4000, s17;
	s18 =	sadd.s32 @!p0 s19, s18;
	s19 =	simm.s32 @!p0 $0x1000  }
0x1e: {  	[tilespmem:s17], [sflag:$0x1] =	stream.strided.gather @!p0 [hbm4b:s18+s19], $0x4000, s20, s19, $0x38;
	[tilespmem:$0x10000] =	vst v63  }
0x1f: {  	p0 =	sge.u32 s31, s5  }
.Ltmp2:
0x20: {  	_ = 	snop;
	(pc) =	sbr.rel @p0 .LBB1_9-.Ltmp2, $1  }
0x21: {  	_ =	sdelay $0x3  }
0x22: {  	s17 =	sand.u32 $0x4000, s11  }
0x23: {  	_ =	swait.ge [sflag:s4], $0x4000;
	s20 =	sshll.u32 s14, $0xE;
	s18 =	sor.u32 $0x8040, s17  }
0x24: {  	s19 =	sor.u32 $0x40, s17;
	[sflag:s4] =	ssyncset.done $0x0;
	s31 =	sand.u32 $0x4000, s20  }
0x25: {  	s20 =	simm.s32 $0x0;
	[sflag:s4] =	ssyncadd.s32 $0xFFFFC000;
	s17 =	sor.u32 $0x8000, s31  }
.LBB1_3:
0x26: {  	s21 =	smov.u32 s19;
	s22 =	smov.u32 s18;
	s23 =	simm.s32 $0x0  }
.LBB1_4:
0x27: {  	v0 =	vmov s21;
	_ =	sdelay $0x3  }
0x28: {  	s25 =	simm.s32 $0x0  }
0x29: {  	v6 =	vld.idx.msk [tilespmem:v0+s25+$0x30 ss:$0x1], $0xffff  }
0x2a: {  	v7 =	vld.idx.msk [tilespmem:v0+s25+$0xFFFFFFC0 ss:$0x1], $0xffff  }
0x2b: {  	v5 =	vld.idx.msk [tilespmem:v0+s25+$0xFFFFFFD0 ss:$0x1], $0xffff  }
0x2c: {  	v4 =	vld.idx.msk [tilespmem:v0+s25+$0xFFFFFFE0 ss:$0x1], $0xffff  }
0x2d: {  	v3 =	vld.idx.msk [tilespmem:v0+s25+$0xFFFFFFF0 ss:$0x1], $0xffff  }
0x2e: {  	v1 =	vld.idx.msk [tilespmem:v0+s25+$0x0 ss:$0x1], $0xffff  }
0x2f: {  	v2 =	vld.idx.msk [tilespmem:v0+s25+$0x10 ss:$0x1], $0xffff;
	[tilespmem:s22+$0x30] =	vst v6  }
0x30: {  	s24 =	simm.s32 $0x80;
	s26 =	simm.s32 $0x400;
	[tilespmem:s22+$0xFFFFFFC0] =	vst v7;
	v6 =	vld.idx.msk [tilespmem:v0+s25+$0x20 ss:$0x1], $0xffff;
	s25 =	smov.u32 s22  }
.LBB1_5:
0x31: {  	p0 =	sne.s32 s26, $0x600;
	v7 =	vld.idx.msk [tilespmem:v0+s24+$0x30 ss:$0x1], $0xffff;
	[tilespmem:s25+$0xFFFFFFD0] =	vst v5  }
0x32: {  	v8 =	vld.idx.msk [tilespmem:v0+s24+$0xFFFFFFC0 ss:$0x1], $0xffff;
	[tilespmem:s25+$0xFFFFFFE0] =	vst v4  }
0x33: {  	v5 =	vld.idx.msk [tilespmem:v0+s24+$0xFFFFFFD0 ss:$0x1], $0xffff;
	[tilespmem:s25+$0xFFFFFFF0] =	vst v3  }
.Ltmp3:
0x34: {  	v4 =	vld.idx.msk [tilespmem:v0+s24+$0xFFFFFFE0 ss:$0x1], $0xffff;
	[tilespmem:s25+$0x0] =	vst v1;
	(pc) =	sbr.rel @p0 .LBB1_5-.Ltmp3, $4  }
0x35: {  	v3 =	vld.idx.msk [tilespmem:v0+s24+$0xFFFFFFF0 ss:$0x1], $0xffff;
	[tilespmem:s25+$0x10] =	vst v2  }
0x36: {  	v1 =	vld.idx.msk [tilespmem:v0+s24+$0x0 ss:$0x1], $0xffff;
	[tilespmem:s25+$0x20] =	vst v6;
	s25 =	sadd.s32 $0x400, s25  }
0x37: {  	v2 =	vld.idx.msk [tilespmem:v0+s24+$0x10 ss:$0x1], $0xffff;
	[tilespmem:s25+$0x30] =	vst v7  }
0x38: {  	[tilespmem:s25+$0xFFFFFFC0] =	vst v8;
	v6 =	vld.idx.msk [tilespmem:v0+s24+$0x20 ss:$0x1], $0xffff;
	s24 =	sshra.s32 s26, $0x2;
	s26 =	sadd.s32 $0x200, s26  }
0x39: {  	_ =	sdelay $0x2  }
0x3a: {  	[tilespmem:s25+$0xFFFFFFD0] =	vst v5  }
0x3b: {  	v56 =	vld.idx.msk [tilespmem:v0+s24+$0x30 ss:$0x1], $0xffff;
	[tilespmem:s25+$0xFFFFFFE0] =	vst v4  }
0x3c: {  	v57 =	vld.idx.msk [tilespmem:v0+s24+$0xFFFFFFC0 ss:$0x1], $0xffff;
	[tilespmem:s25+$0xFFFFFFF0] =	vst v3  }
0x3d: {  	v58 =	vld.idx.msk [tilespmem:v0+s24+$0xFFFFFFD0 ss:$0x1], $0xffff;
	[tilespmem:s25+$0x0] =	vst v1  }
0x3e: {  	v59 =	vld.idx.msk [tilespmem:v0+s24+$0xFFFFFFE0 ss:$0x1], $0xffff;
	[tilespmem:s25+$0x10] =	vst v2  }
0x3f: {  	v60 =	vld.idx.msk [tilespmem:v0+s24+$0xFFFFFFF0 ss:$0x1], $0xffff;
	s31 =	sadd.s32 $0x400, s25;
	[tilespmem:s25+$0x20] =	vst v6  }
0x40: {  	v61 =	vld.idx.msk [tilespmem:v0+s24+$0x0 ss:$0x1], $0xffff;
	[tilespmem:s31+$0x30] =	vst v56  }
0x41: {  	v62 =	vld.idx.msk [tilespmem:v0+s24+$0x10 ss:$0x1], $0xffff;
	s23 =	sadd.s32 $0x1, s23;
	[tilespmem:s31+$0xFFFFFFC0] =	vst v57  }
0x42: {  	v63 =	vld.idx.msk [tilespmem:v0+s24+$0x20 ss:$0x1], $0xffff;
	p0 =	sne.s32 s23, $0x8;
	[tilespmem:s31+$0xFFFFFFD0] =	vst v58  }
.Ltmp4:
0x43: {  	[tilespmem:s31+$0xFFFFFFE0] =	vst v59;
	(pc) =	sbr.rel @p0 .LBB1_4-.Ltmp4, $4  }
0x44: {  	[tilespmem:s31+$0xFFFFFFF0] =	vst v60  }
0x45: {  	[tilespmem:s31+$0x0] =	vst v61  }
0x46: {  	[tilespmem:s31+$0x10] =	vst v62  }
0x47: {  	s22 =	sadd.s32 $0x80, s22;
	s21 =	sadd.s32 $0x200, s21;
	[tilespmem:s31+$0x20] =	vst v63  }
0x48: {  	s20 =	sadd.s32 $0x1, s20  }
0x49: {  	p0 =	sne.s32 s20, $0x4  }
.Ltmp5:
0x4a: {  	_ = 	snop;
	(pc) =	sbr.rel @p0 .LBB1_3-.Ltmp5, $2  }
0x4b: {  	_ =	sdelay $0x2  }
0x4c: {  	s18 =	sadd.s32 $0x1000, s18;
	s19 =	sadd.s32 $0x1000, s19  }
0x4d: {  	s15 =	sand.u32 $0x1FFFFFF, s15  }
0x4e: {  	s18 =	smulhi.u32 $0x1A36E2F, s15;
	_ =	sdelay $0x1  }
0x4f: {  	s16 =	smul.u32 $0x4E200, s16;
	s18 =	sshrl.u32 s18, $0x5  }
0x50: {  	s18 =	smul.u32 $0x1388, s18  }
.Ltmp6:
0x51: {  	_ = 	snop;
	(pc) =	sbr.rel .LBB1_9-.Ltmp6, $4  }
0x52: {  	s15 =	ssub.s32 s15, s18  }
0x53: {  	s16 =	sadd.s32 s7, s16;
	s15 =	sshll.u32 s15, $0x4  }
0x54: {  	s15 =	sadd.s32 s15, s16  }
0x55: {  	[hbm4b:s15+s9] =	stream.strided.scatter [tilespmem:s17], [sflag:$0x2], $0x4000, s10, s9, $0x38;
	[tilespmem:$0x10000] =	vst v63  }
.LBB1_10:
0x56: {  	_ =	sfence.sel $0x180000  }
0x57: {  	s1 =	simm.s32 $0x1;
	[bflag:$0x0] =	sbarrier.arrive $0xFFFF  }
0x58: {  	s31 =	simm.s32 $0x2;
	[sflag:s1] =	ssyncpa.u1 $0x1  }
0x59: {  	[sflag:s31] =	ssyncpa.u1 $0x1  }
0x5a: {  	p0 =	sne.s32 s0, $0x0;
	_ =	strace $0x9000004A  }
0x5b: {  	s0 =	sadd.s32 @!p0 $0x100000, s3;
	[bflag:$0x2] =	sbarrier.arrive $0xFFFF  }
0x5c: {  	[sflag:s0] =	ssyncadd.tile.s32 @!p0 $0x1;
	_ =	shalt  }
.Lfunc_end1:
_tile_overlayer_lowered:
.L_overlay_start_2:
0x5d: {  	(tag) =	ssettag $0x2  }
0x5e: {  	s0 =	rddreg [dreg:$0x0];
	s2 =	stileid.u32  }
0x5f: {  	s1 =	rddreg [dreg:$0x1];
	p0 =	sne.s32 s2, $0x0  }
0x60: {  	s3 =	rddreg [dreg:$0x2];
	[bflag:$0x3] =	sbarrier.arrive $0xFFFF;
	s2 =	simm.s32 @!p0 $0x1C01  }
0x61: {  	[timem:s3], [sflag:s2] =	dma.local @!p0 [hbm:s0], s1  }
0x62: {  	s0 =	simm.s32 @!p0 $0x1  }
0x63: {  	_ =	swait.ge @!p0 [sflag:s0], s1  }
0x64: {  	s1 =	ssub.s32 @!p0 $0x0, s1;
	[sflag:s0] =	ssyncset.done @!p0 $0x0  }
0x65: {  	[sflag:s0] =	ssyncadd.s32 @!p0 s1  }
0x66: {  	[bflag:$0x3] =	sbarrier.arrive $0xFFFF  }
0x67: {  	_ =	shalt  }

</sc_bundles>
